<compile_context>
chip_gen: v7x
topology: tpu7x:2x2x1
jax: 0.10.2.dev20260603
libtpu: 0.0.44.dev20260713+nightly
codegen_flags: <defaults>
</compile_context>

<pallas_src>
import jax
import jax.numpy as jnp
from jax import lax
from jax.experimental import pallas as pl
from jax.experimental.pallas import tpu as pltpu
from jax.experimental.pallas import tpu_sc as plsc

EPS_ = 1e-5
NC = 2
NS = 16


def kernel(high_dim_features, low_dim_features, edge_index,
           high_dim_cov_matrix_flatten,
           bn_low_g, bn_low_b, mlp_low_W, mlp_low_b, mlp_low_bn_g,
           mlp_low_bn_b, bn_high_g, bn_high_b, mlp_high_W, mlp_high_b,
           mlp_high_bn_g, mlp_high_bn_b, conv1_W, conv1_b, cls_W, cls_b):
    f32 = jnp.float32
    xc = high_dim_cov_matrix_flatten
    xl = low_dim_features
    N, HD = xc.shape
    LD = xl.shape[1]
    EMB = mlp_low_W.shape[1]
    HID = conv1_W.shape[1]
    OUT = cls_W.shape[1]
    E = edge_index.shape[1]

    CH = 128
    NW = NC * NS
    CHW = CH * NW
    NF = -(-E // CHW)
    NF = ((NF + 7) // 8) * 8
    E_PAD = NF * CHW
    NCH = E_PAD // CH
    NPH = 2
    NF2 = NF // NPH
    NP8 = NS * 8
    N_PAD = ((N + 8 + NP8 - 1) // NP8) * NP8
    RPT = N_PAD // NS

    RB = 2000
    NB = N // RB

    r = lambda v: v.reshape(1, -1)
    mesh = plsc.VectorSubcoreMesh(core_axis_name="c", subcore_axis_name="s",
                                  num_cores=NC, num_subcores=NS)

    npad_e = E_PAD - E
    pad_i = jnp.arange(npad_e, dtype=jnp.int32)
    src2 = jnp.concatenate(
        [edge_index[0], pad_i % N]).reshape(NCH, CH)
    dst2 = jnp.concatenate(
        [edge_index[1], N + (pad_i % 96)]).reshape(NCH, CH)

    RPT1 = ((N + NS * 128 - 1) // (NS * 128)) * 128
    N_PAD1 = RPT1 * NS

    def _deg_body(dst_hbm, ones_hbm, zeros_hbm, out_hbm, dstv, onesv, acc,
                  ssem):
        c = lax.axis_index("c")
        s = lax.axis_index("s")
        w = c * NS + s
        pltpu.sync_copy(zeros_hbm, acc.at[pl.ds(s * RPT1, RPT1)])
        pltpu.sync_copy(ones_hbm, onesv)
        pltpu.sync_copy(dst_hbm.at[pl.ds(w * NF, NF)], dstv)
        plsc.subcore_barrier()

        def step(j, carry):
            pltpu.async_copy(onesv, acc.at[dstv.at[j]], ssem, add=True)

            @pl.when(j >= 4)
            def _():
                pltpu.make_async_copy(onesv, acc.at[dstv.at[0]], ssem).wait()

            return carry

        lax.fori_loop(0, NF, step, 0)

        def drain(j, carry):
            pltpu.make_async_copy(onesv, acc.at[dstv.at[0]], ssem).wait()
            return carry

        lax.fori_loop(0, 4, drain, 0)
        plsc.subcore_barrier()
        pltpu.sync_copy(acc.at[pl.ds(s * RPT1, RPT1)],
                        out_hbm.at[pl.ds(w * RPT1, RPT1)])

    deg_fn = pl.kernel(
        _deg_body,
        out_type=jax.ShapeDtypeStruct((NW * RPT1,), f32),
        mesh=mesh,
        scratch_types=[
            pltpu.VMEM((NF, CH), jnp.int32),
            pltpu.VMEM((CH,), f32),
            pltpu.VMEM_SHARED((N_PAD1,), f32),
            pltpu.SemaphoreType.DMA,
        ],
    )
    degp = deg_fn(dst2, jnp.ones((CH,), f32),
                  jnp.zeros((RPT1,), f32)).reshape(NC, N_PAD1)
    p0 = degp[0, :N].reshape(N, 1)
    p1 = degp[1, :N].reshape(N, 1)

    def _stats_body(xc_ref, xl_ref, sc_ref, sqc_ref, sl_ref, sql_ref):
        @pl.when(pl.program_id(0) == 0)
        def _():
            sc_ref[...] = jnp.zeros_like(sc_ref)
            sqc_ref[...] = jnp.zeros_like(sqc_ref)
            sl_ref[...] = jnp.zeros_like(sl_ref)
            sql_ref[...] = jnp.zeros_like(sql_ref)

        a = xc_ref[...]
        b = xl_ref[...]
        sc_ref[...] += jnp.sum(a, axis=0, keepdims=True)
        sqc_ref[...] += jnp.sum(a * a, axis=0, keepdims=True)
        sl_ref[...] += jnp.sum(b, axis=0, keepdims=True)
        sql_ref[...] += jnp.sum(b * b, axis=0, keepdims=True)

    sc_, sqc_, sl_, sql_ = pl.pallas_call(
        _stats_body,
        grid=(NB,),
        in_specs=[
            pl.BlockSpec((RB, HD), lambda i: (i, 0)),
            pl.BlockSpec((RB, LD), lambda i: (i, 0)),
        ],
        out_specs=[
            pl.BlockSpec((1, HD), lambda i: (0, 0)),
            pl.BlockSpec((1, HD), lambda i: (0, 0)),
            pl.BlockSpec((1, LD), lambda i: (0, 0)),
            pl.BlockSpec((1, LD), lambda i: (0, 0)),
        ],
        out_shape=[
            jax.ShapeDtypeStruct((1, HD), f32),
            jax.ShapeDtypeStruct((1, HD), f32),
            jax.ShapeDtypeStruct((1, LD), f32),
            jax.ShapeDtypeStruct((1, LD), f32),
        ],
    )(xc, xl)

    ninv = 1.0 / N

    def _embed_body(xc_ref, xl_ref, sc, sqc, sl, sql, g1h, b1h, Wh, bmh,
                    g1l, b1l, Wl, bml, y_ref, ys_ref, ysq_ref):
        mh = sc[...] * ninv
        vh = sqc[...] * ninv - mh * mh
        ah = g1h[...] * lax.rsqrt(vh + EPS_)
        chn = b1h[...] - mh * ah
        yh = jnp.maximum(
            jnp.dot(xc_ref[...] * ah + chn, Wh[...],
                    preferred_element_type=f32) + bmh[...], 0.0)
        ml = sl[...] * ninv
        vl = sql[...] * ninv - ml * ml
        al = g1l[...] * lax.rsqrt(vl + EPS_)
        cln = b1l[...] - ml * al
        yl = jnp.maximum(
            jnp.dot(xl_ref[...] * al + cln, Wl[...],
                    preferred_element_type=f32) + bml[...], 0.0)
        y = jnp.concatenate([yh, yl], axis=1)
        y_ref[...] = y

        @pl.when(pl.program_id(0) == 0)
        def _():
            ys_ref[...] = jnp.zeros_like(ys_ref)
            ysq_ref[...] = jnp.zeros_like(ysq_ref)

        ys_ref[...] += jnp.sum(y, axis=0, keepdims=True)
        ysq_ref[...] += jnp.sum(y * y, axis=0, keepdims=True)

    vec = lambda K: pl.BlockSpec((1, K), lambda i: (0, 0))
    full = lambda a, b: pl.BlockSpec((a, b), lambda i: (0, 0))
    y_, ys_, ysq_ = pl.pallas_call(
        _embed_body,
        grid=(NB,),
        in_specs=[
            pl.BlockSpec((RB, HD), lambda i: (i, 0)),
            pl.BlockSpec((RB, LD), lambda i: (i, 0)),
            vec(HD), vec(HD), vec(LD), vec(LD),
            vec(HD), vec(HD), full(HD, EMB), vec(EMB),
            vec(LD), vec(LD), full(LD, EMB), vec(EMB),
        ],
        out_specs=[
            pl.BlockSpec((RB, 2 * EMB), lambda i: (i, 0)),
            vec(2 * EMB), vec(2 * EMB),
        ],
        out_shape=[
            jax.ShapeDtypeStruct((N, 2 * EMB), f32),
            jax.ShapeDtypeStruct((1, 2 * EMB), f32),
            jax.ShapeDtypeStruct((1, 2 * EMB), f32),
        ],
    )(xc, xl, sc_, sqc_, sl_, sql_,
      r(bn_high_g), r(bn_high_b), mlp_high_W, r(mlp_high_b),
      r(bn_low_g), r(bn_low_b), mlp_low_W, r(mlp_low_b))

    g2 = r(jnp.concatenate([mlp_high_bn_g, mlp_low_bn_g]))
    b2 = r(jnp.concatenate([mlp_high_bn_b, mlp_low_bn_b]))

    def _hprime_body(y_ref, ys, ysq, g2r, b2r, W, p0r, p1r, hp_ref):
        my = ys[...] * ninv
        vy = ysq[...] * ninv - my * my
        a2 = g2r[...] * lax.rsqrt(vy + EPS_)
        c2 = b2r[...] - my * a2
        t = y_ref[...] * a2 + c2
        h = jnp.dot(t, W[...], preferred_element_type=f32)
        deg = 1.0 + p0r[...] + p1r[...]
        hp_ref[...] = lax.rsqrt(deg) * h

    hp = pl.pallas_call(
        _hprime_body,
        grid=(NB,),
        in_specs=[
            pl.BlockSpec((RB, 2 * EMB), lambda i: (i, 0)),
            vec(2 * EMB), vec(2 * EMB), vec(2 * EMB), vec(2 * EMB),
            full(2 * EMB, HID),
            pl.BlockSpec((RB, 1), lambda i: (i, 0)),
            pl.BlockSpec((RB, 1), lambda i: (i, 0)),
        ],
        out_specs=pl.BlockSpec((RB, HID), lambda i: (i, 0)),
        out_shape=jax.ShapeDtypeStruct((N, HID), f32),
    )(y_, ys_, ysq_, g2, b2, conv1_W, p0, p1)

    def _msg_body(hp_hbm, src_hbm, dst_hbm, zeros_hbm, out_hbm,
                  srcv, dstv, rows, acc, gsem0, gsem1):
        c = lax.axis_index("c")
        s = lax.axis_index("s")
        w = c * NS + s
        pltpu.sync_copy(zeros_hbm, acc.at[pl.ds(s * RPT, RPT)])
        plsc.subcore_barrier()

        for p in range(NPH):
            base = w * NF + p * NF2
            pltpu.sync_copy(src_hbm.at[pl.ds(base, NF2)], srcv)
            pltpu.sync_copy(dst_hbm.at[pl.ds(base, NF2)], dstv)
            pltpu.async_copy(hp_hbm.at[srcv.at[0]], rows.at[0], gsem0)

            def step(j2, carry):
                j = 2 * j2
                pltpu.async_copy(hp_hbm.at[srcv.at[j + 1]], rows.at[1], gsem1)
                pltpu.make_async_copy(hp_hbm.at[srcv.at[j]], rows.at[0],
                                      gsem0).wait()
                pltpu.sync_copy(rows.at[0], acc.at[dstv.at[j]], add=True)

                @pl.when(j2 + 1 < NF2 // 2)
                def _():
                    pltpu.async_copy(hp_hbm.at[srcv.at[j + 2]], rows.at[0],
                                     gsem0)

                pltpu.make_async_copy(hp_hbm.at[srcv.at[j + 1]], rows.at[1],
                                      gsem1).wait()
                pltpu.sync_copy(rows.at[1], acc.at[dstv.at[j + 1]], add=True)
                return carry

            lax.fori_loop(0, NF2 // 2, step, 0)

        plsc.subcore_barrier()
        pltpu.sync_copy(acc.at[pl.ds(s * RPT, RPT)],
                        out_hbm.at[c].at[pl.ds(s * RPT, RPT)])

    msg_fn = pl.kernel(
        _msg_body,
        out_type=jax.ShapeDtypeStruct((NC, N_PAD, HID), f32),
        mesh=mesh,
        scratch_types=[
            pltpu.VMEM((NF2, CH), jnp.int32),
            pltpu.VMEM((NF2, CH), jnp.int32),
            pltpu.VMEM((2, CH, HID), f32),
            pltpu.VMEM_SHARED((N_PAD, HID), f32),
            pltpu.SemaphoreType.DMA,
            pltpu.SemaphoreType.DMA,
        ],
    )
    P = msg_fn(hp, src2, dst2, jnp.zeros((RPT, HID), f32))

    def _final_body(P0r, P1r, hpr, p0r, p1r, cb, cW, cbb, o_ref):
        deg = 1.0 + p0r[...] + p1r[...]
        dis = lax.rsqrt(deg)
        x1 = dis * (P0r[...][0] + P1r[...][0] + hpr[...]) + cb[...]
        t = jnp.tanh(x1)
        z = jnp.dot(t, cW[...], preferred_element_type=f32) + cbb[...]
        m = jnp.max(z, axis=1, keepdims=True)
        e = z - m
        o_ref[...] = e - jnp.log(jnp.sum(jnp.exp(e), axis=1, keepdims=True))

    out = pl.pallas_call(
        _final_body,
        grid=(NB,),
        in_specs=[
            pl.BlockSpec((1, RB, HID), lambda i: (0, i, 0)),
            pl.BlockSpec((1, RB, HID), lambda i: (1, i, 0)),
            pl.BlockSpec((RB, HID), lambda i: (i, 0)),
            pl.BlockSpec((RB, 1), lambda i: (i, 0)),
            pl.BlockSpec((RB, 1), lambda i: (i, 0)),
            vec(HID), full(HID, OUT), vec(OUT),
        ],
        out_specs=pl.BlockSpec((RB, OUT), lambda i: (i, 0)),
        out_shape=jax.ShapeDtypeStruct((N, OUT), f32),
    )(P, P, hp, p0, p1, r(conv1_b), cls_W, r(cls_b))

    return out

# --- scband reference (transcript-rebuilt; emitter-appended) ---
"""Pipeline reference for scband-adjacency-based-gcn-85856396247988 (READ-ONLY COPY).

The authoritative reference and input builder live on the scoring server;
editing this copy changes nothing except your own understanding.
"""

import jax, jax.numpy as jnp
import numpy as np

EPS = 1e-5

def _bn(x, g, b):
    m = jnp.mean(x, axis=0)
    v = jnp.var(x, axis=0)
    return (x - m) / jnp.sqrt(v + EPS) * g + b

def _gcn(x, edge_index, W, b):
    N = x.shape[0]
    sl = jnp.arange(N, dtype=edge_index.dtype)
    src = jnp.concatenate([edge_index[0], sl])
    dst = jnp.concatenate([edge_index[1], sl])
    deg = jnp.zeros((N,), x.dtype).at[dst].add(1.0)
    dis = jnp.where(deg > 0, 1.0 / jnp.sqrt(deg), 0.0)
    norm = dis[src] * dis[dst]
    h = x @ W
    msg = h[src] * norm[:, None]
    out = jnp.zeros((N, W.shape[1]), x.dtype).at[dst].add(msg)
    return out + b

def setup_inputs(seed: int = 0) -> dict:
    key = jax.random.key(seed)
    ks = [jax.random.fold_in(key, i) for i in range(16)]
    N, E = 10000, 320000
    HD, LD, EMB, HID, OUT = 512, 128, 64, 128, 16
    inp = {}
    inp["high_dim_features"] = jax.random.normal(ks[0], (N, HD), jnp.float32)
    inp["low_dim_features"] = jax.random.normal(ks[1], (N, LD), jnp.float32)
    inp["edge_index"] = jax.random.randint(ks[2], (2, E), 0, N, jnp.int32)
    inp["high_dim_cov_matrix_flatten"] = jax.random.normal(ks[3], (N, HD), jnp.float32)
    inp["bn_low_g"] = jnp.ones((LD,), jnp.float32)
    inp["bn_low_b"] = jnp.zeros((LD,), jnp.float32)
    inp["mlp_low_W"] = jax.random.normal(ks[4], (LD, EMB), jnp.float32) / np.sqrt(LD)
    inp["mlp_low_b"] = jnp.zeros((EMB,), jnp.float32)
    inp["mlp_low_bn_g"] = jnp.ones((EMB,), jnp.float32)
    inp["mlp_low_bn_b"] = jnp.zeros((EMB,), jnp.float32)
    inp["bn_high_g"] = jnp.ones((HD,), jnp.float32)
    inp["bn_high_b"] = jnp.zeros((HD,), jnp.float32)
    inp["mlp_high_W"] = jax.random.normal(ks[5], (HD, EMB), jnp.float32) / np.sqrt(HD)
    inp["mlp_high_b"] = jnp.zeros((EMB,), jnp.float32)
    inp["mlp_high_bn_g"] = jnp.ones((EMB,), jnp.float32)
    inp["mlp_high_bn_b"] = jnp.zeros((EMB,), jnp.float32)
    inp["conv1_W"] = jax.random.normal(ks[6], (2 * EMB, HID), jnp.float32) / np.sqrt(2 * EMB)
    inp["conv1_b"] = jnp.zeros((HID,), jnp.float32)
    inp["cls_W"] = jax.random.normal(ks[7], (HID, OUT), jnp.float32) / np.sqrt(HID)
    inp["cls_b"] = jnp.zeros((OUT,), jnp.float32)
    return inp

def reference(high_dim_features, low_dim_features, edge_index, high_dim_cov_matrix_flatten,
              bn_low_g, bn_low_b, mlp_low_W, mlp_low_b, mlp_low_bn_g, mlp_low_bn_b,
              bn_high_g, bn_high_b, mlp_high_W, mlp_high_b, mlp_high_bn_g, mlp_high_bn_b,
              conv1_W, conv1_b, cls_W, cls_b):
    low = _bn(low_dim_features, bn_low_g, bn_low_b)
    low = _bn(jax.nn.relu(low @ mlp_low_W + mlp_low_b), mlp_low_bn_g, mlp_low_bn_b)
    high = _bn(high_dim_cov_matrix_flatten, bn_high_g, bn_high_b)
    high = _bn(jax.nn.relu(high @ mlp_high_W + mlp_high_b), mlp_high_bn_g, mlp_high_bn_b)
    comb = jnp.concatenate([high, low], axis=-1)
    x = _gcn(comb, edge_index, conv1_W, conv1_b)
    x = jnp.tanh(x)
    # dropout treated as identity for deterministic reference
    x = x @ cls_W + cls_b
    return jax.nn.log_softmax(x, axis=1)

if __name__ == "__main__":
    import jax
    _d = setup_inputs()
    print(jax.jit(kernel)(*tuple(_d.values())))

</pallas_src>

<mosaic_0001>
#map = affine_map<(d0, d1) -> (0, 0)>
#map1 = affine_map<(d0, d1) -> (0)>
module attributes {stable_mosaic.version = 14 : i64} {
  func.func @_deg_body(%arg0: i32, %arg1: i32, %arg2: memref<2560x128xi32, #tpu.memory_space<hbm>>, %arg3: memref<128xf32, #tpu.memory_space<hbm>>, %arg4: memref<640xf32, #tpu.memory_space<hbm>>, %arg5: memref<20480xf32, #tpu.memory_space<hbm>>, %arg6: memref<80x128xi32, #tpu.memory_space<vmem>>, %arg7: memref<128xf32, #tpu.memory_space<vmem>>, %arg8: memref<10240xf32, #tpu.memory_space<vmem_shared>>, %arg9: memref<!tpu.dma_semaphore, #tpu.memory_space<semaphore_mem>>) attributes {dimension_semantics = [#tpu.dimension_semantics<core_parallel>, #tpu.dimension_semantics<subcore_parallel>], iteration_bounds = array<i64: 2, 16>, scalar_prefetch = 0 : i64, scratch_operands = 4 : i64, tpu.core_type = #tpu.core_type<sc_vector_subcore>, window_params = [{transform_indices = #map}, {transform_indices = #map1}, {transform_indices = #map1}, {transform_indices = #map1}]} {
    %mul3A = arith.constant 16 : i32
    %mul3A_0 = arith.muli %arg0, %mul3A : i32
    %add3A = arith.addi %mul3A_0, %arg1 : i32
    %mul3A_1 = arith.constant 640 : i32
    %mul3A_2 = arith.muli %arg1, %mul3A_1 : i32
    "tpu.region"() ({
      %run_scoped3A = tpu.sem_alloc : memref<!tpu.dma_semaphore, #tpu.memory_space<semaphore_mem>>
      %dma_start3A = tpu.memref_slice %arg8[%mul3A_2] : memref<10240xf32, #tpu.memory_space<vmem_shared>> -> memref<640xf32, #tpu.memory_space<vmem_shared>>
      tpu.enqueue_dma source(%arg4 : memref<640xf32, #tpu.memory_space<hbm>>) target(%dma_start3A : memref<640xf32, #tpu.memory_space<vmem_shared>>) target_semaphore(%run_scoped3A : memref<!tpu.dma_semaphore, #tpu.memory_space<semaphore_mem>>)
      %dma_wait3A = tpu.memref_slice %arg8[%mul3A_2] : memref<10240xf32, #tpu.memory_space<vmem_shared>> -> memref<640xf32, #tpu.memory_space<vmem_shared>>
      tpu.wait_dma2 semaphore(%run_scoped3A : memref<!tpu.dma_semaphore, #tpu.memory_space<semaphore_mem>>) src(%arg4 : memref<640xf32, #tpu.memory_space<hbm>>) dst(%dma_wait3A : memref<640xf32, #tpu.memory_space<vmem_shared>>)
      tpu.yield
    }) : () -> ()
    "tpu.region"() ({
      %run_scoped3A = tpu.sem_alloc : memref<!tpu.dma_semaphore, #tpu.memory_space<semaphore_mem>>
      tpu.enqueue_dma source(%arg3 : memref<128xf32, #tpu.memory_space<hbm>>) target(%arg7 : memref<128xf32, #tpu.memory_space<vmem>>) target_semaphore(%run_scoped3A : memref<!tpu.dma_semaphore, #tpu.memory_space<semaphore_mem>>)
      tpu.wait_dma2 semaphore(%run_scoped3A : memref<!tpu.dma_semaphore, #tpu.memory_space<semaphore_mem>>) src(%arg3 : memref<128xf32, #tpu.memory_space<hbm>>) dst(%arg7 : memref<128xf32, #tpu.memory_space<vmem>>)
      tpu.yield
    }) : () -> ()
    %mul3A_3 = arith.constant 80 : i32
    %mul3A_4 = arith.muli %add3A, %mul3A_3 : i32
    "tpu.region"() ({
      %run_scoped3A = tpu.sem_alloc : memref<!tpu.dma_semaphore, #tpu.memory_space<semaphore_mem>>
      %dma_start3A = arith.constant 0 : i32
      %dma_start3A_21 = tpu.memref_slice %arg2[%mul3A_4, %dma_start3A] : memref<2560x128xi32, #tpu.memory_space<hbm>> -> memref<80x128xi32, #tpu.memory_space<hbm>>
      %dma_start3A_22 = arith.constant 0 : i32
      %dma_start3A_23 = tpu.memref_slice %arg2[%mul3A_4, %dma_start3A_22] : memref<2560x128xi32, #tpu.memory_space<hbm>> -> memref<80x128xi32, #tpu.memory_space<hbm>>
      tpu.enqueue_dma source(%dma_start3A_23 : memref<80x128xi32, #tpu.memory_space<hbm>>) target(%arg6 : memref<80x128xi32, #tpu.memory_space<vmem>>) target_semaphore(%run_scoped3A : memref<!tpu.dma_semaphore, #tpu.memory_space<semaphore_mem>>)
      %dma_wait3A = arith.constant 0 : i32
      %dma_wait3A_24 = tpu.memref_slice %arg2[%mul3A_4, %dma_wait3A] : memref<2560x128xi32, #tpu.memory_space<hbm>> -> memref<80x128xi32, #tpu.memory_space<hbm>>
      %dma_wait3A_25 = arith.constant 0 : i32
      %dma_wait3A_26 = tpu.memref_slice %arg2[%mul3A_4, %dma_wait3A_25] : memref<2560x128xi32, #tpu.memory_space<hbm>> -> memref<80x128xi32, #tpu.memory_space<hbm>>
      tpu.wait_dma2 semaphore(%run_scoped3A : memref<!tpu.dma_semaphore, #tpu.memory_space<semaphore_mem>>) src(%dma_wait3A_26 : memref<80x128xi32, #tpu.memory_space<hbm>>) dst(%arg6 : memref<80x128xi32, #tpu.memory_space<vmem>>)
      tpu.yield
    }) : () -> ()
    %barrier3A = arith.constant 0 : index
    tpu.barrier barrier_id(%barrier3A)
    %scan3A = arith.constant 0 : i32
    %scan3A_5 = arith.constant 0 : i32
    %scan3A_6 = arith.constant 80 : i32
    %scan3A_7 = arith.addi %scan3A_5, %scan3A_6 : i32
    %scan3A_8 = arith.constant 1 : i32
    scf.for %scan3A_21 = %scan3A_5 to %scan3A_7 step %scan3A_8  : i32 {
      %dma_start3A = arith.constant 0 : i32
      %dma_start3A_22 = tpu.memref_slice %arg6[%scan3A_21, %dma_start3A] : memref<80x128xi32, #tpu.memory_space<vmem>> -> memref<1x128xi32, #tpu.memory_space<vmem>>
      %dma_start3A_23 = tpu.memref_squeeze %dma_start3A_22 : memref<1x128xi32, #tpu.memory_space<vmem>> -> memref<128xi32, #tpu.memory_space<vmem>>
      %dma_start3A_24 = arith.constant 0 : i32
      %dma_start3A_25 = tpu.memref_slice %arg8[%dma_start3A_24] : memref<10240xf32, #tpu.memory_space<vmem_shared>> -> memref<10240xf32, #tpu.memory_space<vmem_shared>>
      tpu.enqueue_indirect_dma source(%arg7 : memref<128xf32, #tpu.memory_space<vmem>>) target(%dma_start3A_25 : memref<10240xf32, #tpu.memory_space<vmem_shared>>) offsets(%dma_start3A_23 : memref<128xi32, #tpu.memory_space<vmem>>) semaphore(%arg9 : memref<!tpu.dma_semaphore, #tpu.memory_space<semaphore_mem>>) {add = true}
      %ge3A = arith.constant 4 : i32
      %ge3A_26 = arith.cmpi sge, %scan3A_21, %ge3A : i32
      %convert_element_type3A = arith.extui %ge3A_26 : i1 to i32
      %cond3A = arith.constant 0 : i32
      %cond3A_27 = arith.cmpi ne, %convert_element_type3A, %cond3A : i32
      scf.if %cond3A_27 {
        %dma_wait3A = arith.constant 0 : i32
        %dma_wait3A_28 = arith.constant 0 : i32
        %dma_wait3A_29 = tpu.memref_slice %arg6[%dma_wait3A, %dma_wait3A_28] : memref<80x128xi32, #tpu.memory_space<vmem>> -> memref<1x128xi32, #tpu.memory_space<vmem>>
        %dma_wait3A_30 = tpu.memref_squeeze %dma_wait3A_29 : memref<1x128xi32, #tpu.memory_space<vmem>> -> memref<128xi32, #tpu.memory_space<vmem>>
        %dma_wait3A_31 = arith.constant 0 : i32
        %dma_wait3A_32 = tpu.memref_slice %arg8[%dma_wait3A_31] : memref<10240xf32, #tpu.memory_space<vmem_shared>> -> memref<10240xf32, #tpu.memory_space<vmem_shared>>
        tpu.wait_indirect_dma semaphore(%arg9 : memref<!tpu.dma_semaphore, #tpu.memory_space<semaphore_mem>>) src(%arg7 : memref<128xf32, #tpu.memory_space<vmem>>) dst(%dma_wait3A_32 : memref<10240xf32, #tpu.memory_space<vmem_shared>>)
      } else {
      }
    }
    %scan3A_9 = arith.constant 80 : i32
    %scan3A_10 = arith.constant 0 : i32
    %scan3A_11 = arith.constant 0 : i32
    %scan3A_12 = arith.constant 4 : i32
    %scan3A_13 = arith.addi %scan3A_11, %scan3A_12 : i32
    %scan3A_14 = arith.constant 1 : i32
    scf.for %scan3A_21 = %scan3A_11 to %scan3A_13 step %scan3A_14  : i32 {
      %dma_wait3A = arith.constant 0 : i32
      %dma_wait3A_22 = arith.constant 0 : i32
      %dma_wait3A_23 = tpu.memref_slice %arg6[%dma_wait3A, %dma_wait3A_22] : memref<80x128xi32, #tpu.memory_space<vmem>> -> memref<1x128xi32, #tpu.memory_space<vmem>>
      %dma_wait3A_24 = tpu.memref_squeeze %dma_wait3A_23 : memref<1x128xi32, #tpu.memory_space<vmem>> -> memref<128xi32, #tpu.memory_space<vmem>>
      %dma_wait3A_25 = arith.constant 0 : i32
      %dma_wait3A_26 = tpu.memref_slice %arg8[%dma_wait3A_25] : memref<10240xf32, #tpu.memory_space<vmem_shared>> -> memref<10240xf32, #tpu.memory_space<vmem_shared>>
      tpu.wait_indirect_dma semaphore(%arg9 : memref<!tpu.dma_semaphore, #tpu.memory_space<semaphore_mem>>) src(%arg7 : memref<128xf32, #tpu.memory_space<vmem>>) dst(%dma_wait3A_26 : memref<10240xf32, #tpu.memory_space<vmem_shared>>)
    }
    %scan3A_15 = arith.constant 4 : i32
    %barrier3A_16 = arith.constant 0 : index
    tpu.barrier barrier_id(%barrier3A_16)
    %mul3A_17 = arith.constant 640 : i32
    %mul3A_18 = arith.muli %arg1, %mul3A_17 : i32
    %mul3A_19 = arith.constant 640 : i32
    %mul3A_20 = arith.muli %add3A, %mul3A_19 : i32
    "tpu.region"() ({
      %run_scoped3A = tpu.sem_alloc : memref<!tpu.dma_semaphore, #tpu.memory_space<semaphore_mem>>
      %dma_start3A = tpu.memref_slice %arg5[%mul3A_20] : memref<20480xf32, #tpu.memory_space<hbm>> -> memref<640xf32, #tpu.memory_space<hbm>>
      %dma_start3A_21 = tpu.memref_slice %arg8[%mul3A_18] : memref<10240xf32, #tpu.memory_space<vmem_shared>> -> memref<640xf32, #tpu.memory_space<vmem_shared>>
      tpu.enqueue_dma source(%dma_start3A_21 : memref<640xf32, #tpu.memory_space<vmem_shared>>) target(%dma_start3A : memref<640xf32, #tpu.memory_space<hbm>>) target_semaphore(%run_scoped3A : memref<!tpu.dma_semaphore, #tpu.memory_space<semaphore_mem>>)
      %dma_wait3A = tpu.memref_slice %arg5[%mul3A_20] : memref<20480xf32, #tpu.memory_space<hbm>> -> memref<640xf32, #tpu.memory_space<hbm>>
      %dma_wait3A_22 = tpu.memref_slice %arg8[%mul3A_18] : memref<10240xf32, #tpu.memory_space<vmem_shared>> -> memref<640xf32, #tpu.memory_space<vmem_shared>>
      tpu.wait_dma2 semaphore(%run_scoped3A : memref<!tpu.dma_semaphore, #tpu.memory_space<semaphore_mem>>) src(%dma_wait3A_22 : memref<640xf32, #tpu.memory_space<vmem_shared>>) dst(%dma_wait3A : memref<640xf32, #tpu.memory_space<hbm>>)
      tpu.yield
    }) : () -> ()
    return
  }
}

#map = affine_map<(d0, d1) -> (0, 0)>
#map1 = affine_map<(d0, d1) -> (0, 0, 0)>
module attributes {stable_mosaic.version = 14 : i64} {
  func.func @_msg_body(%arg0: i32, %arg1: i32, %arg2: memref<10000x128xf32, #tpu.memory_space<hbm>>, %arg3: memref<2560x128xi32, #tpu.memory_space<hbm>>, %arg4: memref<2560x128xi32, #tpu.memory_space<hbm>>, %arg5: memref<632x128xf32, #tpu.memory_space<hbm>>, %arg6: memref<2x10112x128xf32, #tpu.memory_space<hbm>>, %arg7: memref<40x128xi32, #tpu.memory_space<vmem>>, %arg8: memref<40x128xi32, #tpu.memory_space<vmem>>, %arg9: memref<2x128x128xf32, #tpu.memory_space<vmem>>, %arg10: memref<10112x128xf32, #tpu.memory_space<vmem_shared>>, %arg11: memref<!tpu.dma_semaphore, #tpu.memory_space<semaphore_mem>>, %arg12: memref<!tpu.dma_semaphore, #tpu.memory_space<semaphore_mem>>) attributes {dimension_semantics = [#tpu.dimension_semantics<core_parallel>, #tpu.dimension_semantics<subcore_parallel>], iteration_bounds = array<i64: 2, 16>, scalar_prefetch = 0 : i64, scratch_operands = 6 : i64, tpu.core_type = #tpu.core_type<sc_vector_subcore>, window_params = [{transform_indices = #map}, {transform_indices = #map}, {transform_indices = #map}, {transform_indices = #map}, {transform_indices = #map1}]} {
    %mul3A = arith.constant 16 : i32
    %mul3A_0 = arith.muli %arg0, %mul3A : i32
    %add3A = arith.addi %mul3A_0, %arg1 : i32
    %mul3A_1 = arith.constant 632 : i32
    %mul3A_2 = arith.muli %arg1, %mul3A_1 : i32
    "tpu.region"() ({
      %run_scoped3A = tpu.sem_alloc : memref<!tpu.dma_semaphore, #tpu.memory_space<semaphore_mem>>
      %dma_start3A_50 = arith.constant 0 : i32
      %dma_start3A_51 = tpu.memref_slice %arg10[%mul3A_2, %dma_start3A_50] : memref<10112x128xf32, #tpu.memory_space<vmem_shared>> -> memref<632x128xf32, #tpu.memory_space<vmem_shared>>
      tpu.enqueue_dma source(%arg5 : memref<632x128xf32, #tpu.memory_space<hbm>>) target(%dma_start3A_51 : memref<632x128xf32, #tpu.memory_space<vmem_shared>>) target_semaphore(%run_scoped3A : memref<!tpu.dma_semaphore, #tpu.memory_space<semaphore_mem>>)
      %dma_wait3A = arith.constant 0 : i32
      %dma_wait3A_52 = tpu.memref_slice %arg10[%mul3A_2, %dma_wait3A] : memref<10112x128xf32, #tpu.memory_space<vmem_shared>> -> memref<632x128xf32, #tpu.memory_space<vmem_shared>>
      tpu.wait_dma2 semaphore(%run_scoped3A : memref<!tpu.dma_semaphore, #tpu.memory_space<semaphore_mem>>) src(%arg5 : memref<632x128xf32, #tpu.memory_space<hbm>>) dst(%dma_wait3A_52 : memref<632x128xf32, #tpu.memory_space<vmem_shared>>)
      tpu.yield
    }) : () -> ()
    %barrier3A = arith.constant 0 : index
    tpu.barrier barrier_id(%barrier3A)
    %mul3A_3 = arith.constant 80 : i32
    %mul3A_4 = arith.muli %add3A, %mul3A_3 : i32
    %add3A_5 = arith.constant 0 : i32
    %add3A_6 = arith.addi %mul3A_4, %add3A_5 : i32
    "tpu.region"() ({
      %run_scoped3A = tpu.sem_alloc : memref<!tpu.dma_semaphore, #tpu.memory_space<semaphore_mem>>
      %dma_start3A_50 = arith.constant 0 : i32
      %dma_start3A_51 = tpu.memref_slice %arg3[%add3A_6, %dma_start3A_50] : memref<2560x128xi32, #tpu.memory_space<hbm>> -> memref<40x128xi32, #tpu.memory_space<hbm>>
      %dma_start3A_52 = arith.constant 0 : i32
      %dma_start3A_53 = tpu.memref_slice %arg3[%add3A_6, %dma_start3A_52] : memref<2560x128xi32, #tpu.memory_space<hbm>> -> memref<40x128xi32, #tpu.memory_space<hbm>>
      tpu.enqueue_dma source(%dma_start3A_53 : memref<40x128xi32, #tpu.memory_space<hbm>>) target(%arg7 : memref<40x128xi32, #tpu.memory_space<vmem>>) target_semaphore(%run_scoped3A : memref<!tpu.dma_semaphore, #tpu.memory_space<semaphore_mem>>)
      %dma_wait3A = arith.constant 0 : i32
      %dma_wait3A_54 = tpu.memref_slice %arg3[%add3A_6, %dma_wait3A] : memref<2560x128xi32, #tpu.memory_space<hbm>> -> memref<40x128xi32, #tpu.memory_space<hbm>>
      %dma_wait3A_55 = arith.constant 0 : i32
      %dma_wait3A_56 = tpu.memref_slice %arg3[%add3A_6, %dma_wait3A_55] : memref<2560x128xi32, #tpu.memory_space<hbm>> -> memref<40x128xi32, #tpu.memory_space<hbm>>
      tpu.wait_dma2 semaphore(%run_scoped3A : memref<!tpu.dma_semaphore, #tpu.memory_space<semaphore_mem>>) src(%dma_wait3A_56 : memref<40x128xi32, #tpu.memory_space<hbm>>) dst(%arg7 : memref<40x128xi32, #tpu.memory_space<vmem>>)
      tpu.yield
    }) : () -> ()
    "tpu.region"() ({
      %run_scoped3A = tpu.sem_alloc : memref<!tpu.dma_semaphore, #tpu.memory_space<semaphore_mem>>
      %dma_start3A_50 = arith.constant 0 : i32
      %dma_start3A_51 = tpu.memref_slice %arg4[%add3A_6, %dma_start3A_50] : memref<2560x128xi32, #tpu.memory_space<hbm>> -> memref<40x128xi32, #tpu.memory_space<hbm>>
      %dma_start3A_52 = arith.constant 0 : i32
      %dma_start3A_53 = tpu.memref_slice %arg4[%add3A_6, %dma_start3A_52] : memref<2560x128xi32, #tpu.memory_space<hbm>> -> memref<40x128xi32, #tpu.memory_space<hbm>>
      tpu.enqueue_dma source(%dma_start3A_53 : memref<40x128xi32, #tpu.memory_space<hbm>>) target(%arg8 : memref<40x128xi32, #tpu.memory_space<vmem>>) target_semaphore(%run_scoped3A : memref<!tpu.dma_semaphore, #tpu.memory_space<semaphore_mem>>)
      %dma_wait3A = arith.constant 0 : i32
      %dma_wait3A_54 = tpu.memref_slice %arg4[%add3A_6, %dma_wait3A] : memref<2560x128xi32, #tpu.memory_space<hbm>> -> memref<40x128xi32, #tpu.memory_space<hbm>>
      %dma_wait3A_55 = arith.constant 0 : i32
      %dma_wait3A_56 = tpu.memref_slice %arg4[%add3A_6, %dma_wait3A_55] : memref<2560x128xi32, #tpu.memory_space<hbm>> -> memref<40x128xi32, #tpu.memory_space<hbm>>
      tpu.wait_dma2 semaphore(%run_scoped3A : memref<!tpu.dma_semaphore, #tpu.memory_space<semaphore_mem>>) src(%dma_wait3A_56 : memref<40x128xi32, #tpu.memory_space<hbm>>) dst(%arg8 : memref<40x128xi32, #tpu.memory_space<vmem>>)
      tpu.yield
    }) : () -> ()
    %dma_start3A = arith.constant 0 : i32
    %dma_start3A_7 = arith.constant 0 : i32
    %dma_start3A_8 = arith.constant 0 : i32
    %dma_start3A_9 = arith.constant 0 : i32
    %dma_start3A_10 = tpu.memref_slice %arg9[%dma_start3A_7, %dma_start3A_8, %dma_start3A_9] : memref<2x128x128xf32, #tpu.memory_space<vmem>> -> memref<1x128x128xf32, #tpu.memory_space<vmem>>
    %dma_start3A_11 = tpu.memref_squeeze %dma_start3A_10 : memref<1x128x128xf32, #tpu.memory_space<vmem>> -> memref<128x128xf32, #tpu.memory_space<vmem>>
    %dma_start3A_12 = arith.constant 0 : i32
    %dma_start3A_13 = tpu.memref_slice %arg7[%dma_start3A, %dma_start3A_12] : memref<40x128xi32, #tpu.memory_space<vmem>> -> memref<1x128xi32, #tpu.memory_space<vmem>>
    %dma_start3A_14 = tpu.memref_squeeze %dma_start3A_13 : memref<1x128xi32, #tpu.memory_space<vmem>> -> memref<128xi32, #tpu.memory_space<vmem>>
    %dma_start3A_15 = arith.constant 0 : i32
    %dma_start3A_16 = arith.constant 0 : i32
    %dma_start3A_17 = tpu.memref_slice %arg2[%dma_start3A_15, %dma_start3A_16] : memref<10000x128xf32, #tpu.memory_space<hbm>> -> memref<10000x128xf32, #tpu.memory_space<hbm>>
    tpu.enqueue_indirect_dma source(%dma_start3A_17 : memref<10000x128xf32, #tpu.memory_space<hbm>>) target(%dma_start3A_11 : memref<128x128xf32, #tpu.memory_space<vmem>>) offsets(%dma_start3A_14 : memref<128xi32, #tpu.memory_space<vmem>>) semaphore(%arg11 : memref<!tpu.dma_semaphore, #tpu.memory_space<semaphore_mem>>)
    %scan3A = arith.constant 0 : i32
    %scan3A_18 = arith.constant 0 : i32
    %scan3A_19 = arith.constant 20 : i32
    %scan3A_20 = arith.addi %scan3A_18, %scan3A_19 : i32
    %scan3A_21 = arith.constant 1 : i32
    scf.for %scan3A_50 = %scan3A_18 to %scan3A_20 step %scan3A_21  : i32 {
      %mul3A_51 = arith.constant 2 : i32
      %mul3A_52 = arith.muli %mul3A_51, %scan3A_50 : i32
      %add3A_53 = arith.constant 1 : i32
      %add3A_54 = arith.addi %mul3A_52, %add3A_53 : i32
      %dma_start3A_55 = arith.constant 1 : i32
      %dma_start3A_56 = arith.constant 0 : i32
      %dma_start3A_57 = arith.constant 0 : i32
      %dma_start3A_58 = tpu.memref_slice %arg9[%dma_start3A_55, %dma_start3A_56, %dma_start3A_57] : memref<2x128x128xf32, #tpu.memory_space<vmem>> -> memref<1x128x128xf32, #tpu.memory_space<vmem>>
      %dma_start3A_59 = tpu.memref_squeeze %dma_start3A_58 : memref<1x128x128xf32, #tpu.memory_space<vmem>> -> memref<128x128xf32, #tpu.memory_space<vmem>>
      %dma_start3A_60 = arith.constant 0 : i32
      %dma_start3A_61 = tpu.memref_slice %arg7[%add3A_54, %dma_start3A_60] : memref<40x128xi32, #tpu.memory_space<vmem>> -> memref<1x128xi32, #tpu.memory_space<vmem>>
      %dma_start3A_62 = tpu.memref_squeeze %dma_start3A_61 : memref<1x128xi32, #tpu.memory_space<vmem>> -> memref<128xi32, #tpu.memory_space<vmem>>
      %dma_start3A_63 = arith.constant 0 : i32
      %dma_start3A_64 = arith.constant 0 : i32
      %dma_start3A_65 = tpu.memref_slice %arg2[%dma_start3A_63, %dma_start3A_64] : memref<10000x128xf32, #tpu.memory_space<hbm>> -> memref<10000x128xf32, #tpu.memory_space<hbm>>
      tpu.enqueue_indirect_dma source(%dma_start3A_65 : memref<10000x128xf32, #tpu.memory_space<hbm>>) target(%dma_start3A_59 : memref<128x128xf32, #tpu.memory_space<vmem>>) offsets(%dma_start3A_62 : memref<128xi32, #tpu.memory_space<vmem>>) semaphore(%arg12 : memref<!tpu.dma_semaphore, #tpu.memory_space<semaphore_mem>>)
      %dma_wait3A = arith.constant 0 : i32
      %dma_wait3A_66 = arith.constant 0 : i32
      %dma_wait3A_67 = arith.constant 0 : i32
      %dma_wait3A_68 = tpu.memref_slice %arg9[%dma_wait3A, %dma_wait3A_66, %dma_wait3A_67] : memref<2x128x128xf32, #tpu.memory_space<vmem>> -> memref<1x128x128xf32, #tpu.memory_space<vmem>>
      %dma_wait3A_69 = tpu.memref_squeeze %dma_wait3A_68 : memref<1x128x128xf32, #tpu.memory_space<vmem>> -> memref<128x128xf32, #tpu.memory_space<vmem>>
      %dma_wait3A_70 = arith.constant 0 : i32
      %dma_wait3A_71 = tpu.memref_slice %arg7[%mul3A_52, %dma_wait3A_70] : memref<40x128xi32, #tpu.memory_space<vmem>> -> memref<1x128xi32, #tpu.memory_space<vmem>>
      %dma_wait3A_72 = tpu.memref_squeeze %dma_wait3A_71 : memref<1x128xi32, #tpu.memory_space<vmem>> -> memref<128xi32, #tpu.memory_space<vmem>>
      %dma_wait3A_73 = arith.constant 0 : i32
      %dma_wait3A_74 = arith.constant 0 : i32
      %dma_wait3A_75 = tpu.memref_slice %arg2[%dma_wait3A_73, %dma_wait3A_74] : memref<10000x128xf32, #tpu.memory_space<hbm>> -> memref<10000x128xf32, #tpu.memory_space<hbm>>
      tpu.wait_indirect_dma semaphore(%arg11 : memref<!tpu.dma_semaphore, #tpu.memory_space<semaphore_mem>>) src(%dma_wait3A_75 : memref<10000x128xf32, #tpu.memory_space<hbm>>) dst(%dma_wait3A_69 : memref<128x128xf32, #tpu.memory_space<vmem>>)
      %run_scoped3A = arith.constant 0 : i32
      "tpu.region"() ({
        %run_scoped3A_96 = tpu.sem_alloc : memref<!tpu.dma_semaphore, #tpu.memory_space<semaphore_mem>>
        %dma_start3A_97 = arith.constant 0 : i32
        %dma_start3A_98 = arith.constant 0 : i32
        %dma_start3A_99 = tpu.memref_slice %arg9[%run_scoped3A, %dma_start3A_97, %dma_start3A_98] : memref<2x128x128xf32, #tpu.memory_space<vmem>> -> memref<1x128x128xf32, #tpu.memory_space<vmem>>
        %dma_start3A_100 = tpu.memref_squeeze %dma_start3A_99 : memref<1x128x128xf32, #tpu.memory_space<vmem>> -> memref<128x128xf32, #tpu.memory_space<vmem>>
        %dma_start3A_101 = arith.constant 0 : i32
        %dma_start3A_102 = tpu.memref_slice %arg8[%mul3A_52, %dma_start3A_101] : memref<40x128xi32, #tpu.memory_space<vmem>> -> memref<1x128xi32, #tpu.memory_space<vmem>>
        %dma_start3A_103 = tpu.memref_squeeze %dma_start3A_102 : memref<1x128xi32, #tpu.memory_space<vmem>> -> memref<128xi32, #tpu.memory_space<vmem>>
        %dma_start3A_104 = arith.constant 0 : i32
        %dma_start3A_105 = arith.constant 0 : i32
        %dma_start3A_106 = tpu.memref_slice %arg10[%dma_start3A_104, %dma_start3A_105] : memref<10112x128xf32, #tpu.memory_space<vmem_shared>> -> memref<10112x128xf32, #tpu.memory_space<vmem_shared>>
        tpu.enqueue_indirect_dma source(%dma_start3A_100 : memref<128x128xf32, #tpu.memory_space<vmem>>) target(%dma_start3A_106 : memref<10112x128xf32, #tpu.memory_space<vmem_shared>>) offsets(%dma_start3A_103 : memref<128xi32, #tpu.memory_space<vmem>>) semaphore(%run_scoped3A_96 : memref<!tpu.dma_semaphore, #tpu.memory_space<semaphore_mem>>) {add = true}
        %dma_wait3A_107 = arith.constant 0 : i32
        %dma_wait3A_108 = arith.constant 0 : i32
        %dma_wait3A_109 = tpu.memref_slice %arg9[%run_scoped3A, %dma_wait3A_107, %dma_wait3A_108] : memref<2x128x128xf32, #tpu.memory_space<vmem>> -> memref<1x128x128xf32, #tpu.memory_space<vmem>>
        %dma_wait3A_110 = tpu.memref_squeeze %dma_wait3A_109 : memref<1x128x128xf32, #tpu.memory_space<vmem>> -> memref<128x128xf32, #tpu.memory_space<vmem>>
        %dma_wait3A_111 = arith.constant 0 : i32
        %dma_wait3A_112 = tpu.memref_slice %arg8[%mul3A_52, %dma_wait3A_111] : memref<40x128xi32, #tpu.memory_space<vmem>> -> memref<1x128xi32, #tpu.memory_space<vmem>>
        %dma_wait3A_113 = tpu.memref_squeeze %dma_wait3A_112 : memref<1x128xi32, #tpu.memory_space<vmem>> -> memref<128xi32, #tpu.memory_space<vmem>>
        %dma_wait3A_114 = arith.constant 0 : i32
        %dma_wait3A_115 = arith.constant 0 : i32
        %dma_wait3A_116 = tpu.memref_slice %arg10[%dma_wait3A_114, %dma_wait3A_115] : memref<10112x128xf32, #tpu.memory_space<vmem_shared>> -> memref<10112x128xf32, #tpu.memory_space<vmem_shared>>
        tpu.wait_indirect_dma semaphore(%run_scoped3A_96 : memref<!tpu.dma_semaphore, #tpu.memory_space<semaphore_mem>>) src(%dma_wait3A_110 : memref<128x128xf32, #tpu.memory_space<vmem>>) dst(%dma_wait3A_116 : memref<10112x128xf32, #tpu.memory_space<vmem_shared>>)
        tpu.yield
      }) : () -> ()
      %add3A_76 = arith.constant 1 : i32
      %add3A_77 = arith.addi %scan3A_50, %add3A_76 : i32
      %lt3A = arith.constant 20 : i32
      %lt3A_78 = arith.cmpi slt, %add3A_77, %lt3A : i32
      %convert_element_type3A = arith.extui %lt3A_78 : i1 to i32
      %cond3A = arith.constant 0 : i32
      %cond3A_79 = arith.cmpi ne, %convert_element_type3A, %cond3A : i32
      scf.if %cond3A_79 {
        %add3A_96 = arith.constant 2 : i32
        %add3A_97 = arith.addi %mul3A_52, %add3A_96 : i32
        %dma_start3A_98 = arith.constant 0 : i32
        %dma_start3A_99 = arith.constant 0 : i32
        %dma_start3A_100 = arith.constant 0 : i32
        %dma_start3A_101 = tpu.memref_slice %arg9[%dma_start3A_98, %dma_start3A_99, %dma_start3A_100] : memref<2x128x128xf32, #tpu.memory_space<vmem>> -> memref<1x128x128xf32, #tpu.memory_space<vmem>>
        %dma_start3A_102 = tpu.memref_squeeze %dma_start3A_101 : memref<1x128x128xf32, #tpu.memory_space<vmem>> -> memref<128x128xf32, #tpu.memory_space<vmem>>
        %dma_start3A_103 = arith.constant 0 : i32
        %dma_start3A_104 = tpu.memref_slice %arg7[%add3A_97, %dma_start3A_103] : memref<40x128xi32, #tpu.memory_space<vmem>> -> memref<1x128xi32, #tpu.memory_space<vmem>>
        %dma_start3A_105 = tpu.memref_squeeze %dma_start3A_104 : memref<1x128xi32, #tpu.memory_space<vmem>> -> memref<128xi32, #tpu.memory_space<vmem>>
        %dma_start3A_106 = arith.constant 0 : i32
        %dma_start3A_107 = arith.constant 0 : i32
        %dma_start3A_108 = tpu.memref_slice %arg2[%dma_start3A_106, %dma_start3A_107] : memref<10000x128xf32, #tpu.memory_space<hbm>> -> memref<10000x128xf32, #tpu.memory_space<hbm>>
        tpu.enqueue_indirect_dma source(%dma_start3A_108 : memref<10000x128xf32, #tpu.memory_space<hbm>>) target(%dma_start3A_102 : memref<128x128xf32, #tpu.memory_space<vmem>>) offsets(%dma_start3A_105 : memref<128xi32, #tpu.memory_space<vmem>>) semaphore(%arg11 : memref<!tpu.dma_semaphore, #tpu.memory_space<semaphore_mem>>)
      } else {
      }
      %add3A_80 = arith.constant 1 : i32
      %add3A_81 = arith.addi %mul3A_52, %add3A_80 : i32
      %dma_wait3A_82 = arith.constant 1 : i32
      %dma_wait3A_83 = arith.constant 0 : i32
      %dma_wait3A_84 = arith.constant 0 : i32
      %dma_wait3A_85 = tpu.memref_slice %arg9[%dma_wait3A_82, %dma_wait3A_83, %dma_wait3A_84] : memref<2x128x128xf32, #tpu.memory_space<vmem>> -> memref<1x128x128xf32, #tpu.memory_space<vmem>>
      %dma_wait3A_86 = tpu.memref_squeeze %dma_wait3A_85 : memref<1x128x128xf32, #tpu.memory_space<vmem>> -> memref<128x128xf32, #tpu.memory_space<vmem>>
      %dma_wait3A_87 = arith.constant 0 : i32
      %dma_wait3A_88 = tpu.memref_slice %arg7[%add3A_81, %dma_wait3A_87] : memref<40x128xi32, #tpu.memory_space<vmem>> -> memref<1x128xi32, #tpu.memory_space<vmem>>
      %dma_wait3A_89 = tpu.memref_squeeze %dma_wait3A_88 : memref<1x128xi32, #tpu.memory_space<vmem>> -> memref<128xi32, #tpu.memory_space<vmem>>
      %dma_wait3A_90 = arith.constant 0 : i32
      %dma_wait3A_91 = arith.constant 0 : i32
      %dma_wait3A_92 = tpu.memref_slice %arg2[%dma_wait3A_90, %dma_wait3A_91] : memref<10000x128xf32, #tpu.memory_space<hbm>> -> memref<10000x128xf32, #tpu.memory_space<hbm>>
      tpu.wait_indirect_dma semaphore(%arg12 : memref<!tpu.dma_semaphore, #tpu.memory_space<semaphore_mem>>) src(%dma_wait3A_92 : memref<10000x128xf32, #tpu.memory_space<hbm>>) dst(%dma_wait3A_86 : memref<128x128xf32, #tpu.memory_space<vmem>>)
      %add3A_93 = arith.constant 1 : i32
      %add3A_94 = arith.addi %mul3A_52, %add3A_93 : i32
      %run_scoped3A_95 = arith.constant 1 : i32
      "tpu.region"() ({
        %run_scoped3A_96 = tpu.sem_alloc : memref<!tpu.dma_semaphore, #tpu.memory_space<semaphore_mem>>
        %dma_start3A_97 = arith.constant 0 : i32
        %dma_start3A_98 = arith.constant 0 : i32
        %dma_start3A_99 = tpu.memref_slice %arg9[%run_scoped3A_95, %dma_start3A_97, %dma_start3A_98] : memref<2x128x128xf32, #tpu.memory_space<vmem>> -> memref<1x128x128xf32, #tpu.memory_space<vmem>>
        %dma_start3A_100 = tpu.memref_squeeze %dma_start3A_99 : memref<1x128x128xf32, #tpu.memory_space<vmem>> -> memref<128x128xf32, #tpu.memory_space<vmem>>
        %dma_start3A_101 = arith.constant 0 : i32
        %dma_start3A_102 = tpu.memref_slice %arg8[%add3A_94, %dma_start3A_101] : memref<40x128xi32, #tpu.memory_space<vmem>> -> memref<1x128xi32, #tpu.memory_space<vmem>>
        %dma_start3A_103 = tpu.memref_squeeze %dma_start3A_102 : memref<1x128xi32, #tpu.memory_space<vmem>> -> memref<128xi32, #tpu.memory_space<vmem>>
        %dma_start3A_104 = arith.constant 0 : i32
        %dma_start3A_105 = arith.constant 0 : i32
        %dma_start3A_106 = tpu.memref_slice %arg10[%dma_start3A_104, %dma_start3A_105] : memref<10112x128xf32, #tpu.memory_space<vmem_shared>> -> memref<10112x128xf32, #tpu.memory_space<vmem_shared>>
        tpu.enqueue_indirect_dma source(%dma_start3A_100 : memref<128x128xf32, #tpu.memory_space<vmem>>) target(%dma_start3A_106 : memref<10112x128xf32, #tpu.memory_space<vmem_shared>>) offsets(%dma_start3A_103 : memref<128xi32, #tpu.memory_space<vmem>>) semaphore(%run_scoped3A_96 : memref<!tpu.dma_semaphore, #tpu.memory_space<semaphore_mem>>) {add = true}
        %dma_wait3A_107 = arith.constant 0 : i32
        %dma_wait3A_108 = arith.constant 0 : i32
        %dma_wait3A_109 = tpu.memref_slice %arg9[%run_scoped3A_95, %dma_wait3A_107, %dma_wait3A_108] : memref<2x128x128xf32, #tpu.memory_space<vmem>> -> memref<1x128x128xf32, #tpu.memory_space<vmem>>
        %dma_wait3A_110 = tpu.memref_squeeze %dma_wait3A_109 : memref<1x128x128xf32, #tpu.memory_space<vmem>> -> memref<128x128xf32, #tpu.memory_space<vmem>>
        %dma_wait3A_111 = arith.constant 0 : i32
        %dma_wait3A_112 = tpu.memref_slice %arg8[%add3A_94, %dma_wait3A_111] : memref<40x128xi32, #tpu.memory_space<vmem>> -> memref<1x128xi32, #tpu.memory_space<vmem>>
        %dma_wait3A_113 = tpu.memref_squeeze %dma_wait3A_112 : memref<1x128xi32, #tpu.memory_space<vmem>> -> memref<128xi32, #tpu.memory_space<vmem>>
        %dma_wait3A_114 = arith.constant 0 : i32
        %dma_wait3A_115 = arith.constant 0 : i32
        %dma_wait3A_116 = tpu.memref_slice %arg10[%dma_wait3A_114, %dma_wait3A_115] : memref<10112x128xf32, #tpu.memory_space<vmem_shared>> -> memref<10112x128xf32, #tpu.memory_space<vmem_shared>>
        tpu.wait_indirect_dma semaphore(%run_scoped3A_96 : memref<!tpu.dma_semaphore, #tpu.memory_space<semaphore_mem>>) src(%dma_wait3A_110 : memref<128x128xf32, #tpu.memory_space<vmem>>) dst(%dma_wait3A_116 : memref<10112x128xf32, #tpu.memory_space<vmem_shared>>)
        tpu.yield
      }) : () -> ()
    }
    %scan3A_22 = arith.constant 20 : i32
    %mul3A_23 = arith.constant 80 : i32
    %mul3A_24 = arith.muli %add3A, %mul3A_23 : i32
    %add3A_25 = arith.constant 40 : i32
    %add3A_26 = arith.addi %mul3A_24, %add3A_25 : i32
    "tpu.region"() ({
      %run_scoped3A = tpu.sem_alloc : memref<!tpu.dma_semaphore, #tpu.memory_space<semaphore_mem>>
      %dma_start3A_50 = arith.constant 0 : i32
      %dma_start3A_51 = tpu.memref_slice %arg3[%add3A_26, %dma_start3A_50] : memref<2560x128xi32, #tpu.memory_space<hbm>> -> memref<40x128xi32, #tpu.memory_space<hbm>>
      %dma_start3A_52 = arith.constant 0 : i32
      %dma_start3A_53 = tpu.memref_slice %arg3[%add3A_26, %dma_start3A_52] : memref<2560x128xi32, #tpu.memory_space<hbm>> -> memref<40x128xi32, #tpu.memory_space<hbm>>
      tpu.enqueue_dma source(%dma_start3A_53 : memref<40x128xi32, #tpu.memory_space<hbm>>) target(%arg7 : memref<40x128xi32, #tpu.memory_space<vmem>>) target_semaphore(%run_scoped3A : memref<!tpu.dma_semaphore, #tpu.memory_space<semaphore_mem>>)
      %dma_wait3A = arith.constant 0 : i32
      %dma_wait3A_54 = tpu.memref_slice %arg3[%add3A_26, %dma_wait3A] : memref<2560x128xi32, #tpu.memory_space<hbm>> -> memref<40x128xi32, #tpu.memory_space<hbm>>
      %dma_wait3A_55 = arith.constant 0 : i32
      %dma_wait3A_56 = tpu.memref_slice %arg3[%add3A_26, %dma_wait3A_55] : memref<2560x128xi32, #tpu.memory_space<hbm>> -> memref<40x128xi32, #tpu.memory_space<hbm>>
      tpu.wait_dma2 semaphore(%run_scoped3A : memref<!tpu.dma_semaphore, #tpu.memory_space<semaphore_mem>>) src(%dma_wait3A_56 : memref<40x128xi32, #tpu.memory_space<hbm>>) dst(%arg7 : memref<40x128xi32, #tpu.memory_space<vmem>>)
      tpu.yield
    }) : () -> ()
    "tpu.region"() ({
      %run_scoped3A = tpu.sem_alloc : memref<!tpu.dma_semaphore, #tpu.memory_space<semaphore_mem>>
      %dma_start3A_50 = arith.constant 0 : i32
      %dma_start3A_51 = tpu.memref_slice %arg4[%add3A_26, %dma_start3A_50] : memref<2560x128xi32, #tpu.memory_space<hbm>> -> memref<40x128xi32, #tpu.memory_space<hbm>>
      %dma_start3A_52 = arith.constant 0 : i32
      %dma_start3A_53 = tpu.memref_slice %arg4[%add3A_26, %dma_start3A_52] : memref<2560x128xi32, #tpu.memory_space<hbm>> -> memref<40x128xi32, #tpu.memory_space<hbm>>
      tpu.enqueue_dma source(%dma_start3A_53 : memref<40x128xi32, #tpu.memory_space<hbm>>) target(%arg8 : memref<40x128xi32, #tpu.memory_space<vmem>>) target_semaphore(%run_scoped3A : memref<!tpu.dma_semaphore, #tpu.memory_space<semaphore_mem>>)
      %dma_wait3A = arith.constant 0 : i32
      %dma_wait3A_54 = tpu.memref_slice %arg4[%add3A_26, %dma_wait3A] : memref<2560x128xi32, #tpu.memory_space<hbm>> -> memref<40x128xi32, #tpu.memory_space<hbm>>
      %dma_wait3A_55 = arith.constant 0 : i32
      %dma_wait3A_56 = tpu.memref_slice %arg4[%add3A_26, %dma_wait3A_55] : memref<2560x128xi32, #tpu.memory_space<hbm>> -> memref<40x128xi32, #tpu.memory_space<hbm>>
      tpu.wait_dma2 semaphore(%run_scoped3A : memref<!tpu.dma_semaphore, #tpu.memory_space<semaphore_mem>>) src(%dma_wait3A_56 : memref<40x128xi32, #tpu.memory_space<hbm>>) dst(%arg8 : memref<40x128xi32, #tpu.memory_space<vmem>>)
      tpu.yield
    }) : () -> ()
    %dma_start3A_27 = arith.constant 0 : i32
    %dma_start3A_28 = arith.constant 0 : i32
    %dma_start3A_29 = arith.constant 0 : i32
    %dma_start3A_30 = arith.constant 0 : i32
    %dma_start3A_31 = tpu.memref_slice %arg9[%dma_start3A_28, %dma_start3A_29, %dma_start3A_30] : memref<2x128x128xf32, #tpu.memory_space<vmem>> -> memref<1x128x128xf32, #tpu.memory_space<vmem>>
    %dma_start3A_32 = tpu.memref_squeeze %dma_start3A_31 : memref<1x128x128xf32, #tpu.memory_space<vmem>> -> memref<128x128xf32, #tpu.memory_space<vmem>>
    %dma_start3A_33 = arith.constant 0 : i32
    %dma_start3A_34 = tpu.memref_slice %arg7[%dma_start3A_27, %dma_start3A_33] : memref<40x128xi32, #tpu.memory_space<vmem>> -> memref<1x128xi32, #tpu.memory_space<vmem>>
    %dma_start3A_35 = tpu.memref_squeeze %dma_start3A_34 : memref<1x128xi32, #tpu.memory_space<vmem>> -> memref<128xi32, #tpu.memory_space<vmem>>
    %dma_start3A_36 = arith.constant 0 : i32
    %dma_start3A_37 = arith.constant 0 : i32
    %dma_start3A_38 = tpu.memref_slice %arg2[%dma_start3A_36, %dma_start3A_37] : memref<10000x128xf32, #tpu.memory_space<hbm>> -> memref<10000x128xf32, #tpu.memory_space<hbm>>
    tpu.enqueue_indirect_dma source(%dma_start3A_38 : memref<10000x128xf32, #tpu.memory_space<hbm>>) target(%dma_start3A_32 : memref<128x128xf32, #tpu.memory_space<vmem>>) offsets(%dma_start3A_35 : memref<128xi32, #tpu.memory_space<vmem>>) semaphore(%arg11 : memref<!tpu.dma_semaphore, #tpu.memory_space<semaphore_mem>>)
    %scan3A_39 = arith.constant 0 : i32
    %scan3A_40 = arith.constant 0 : i32
    %scan3A_41 = arith.constant 20 : i32
    %scan3A_42 = arith.addi %scan3A_40, %scan3A_41 : i32
    %scan3A_43 = arith.constant 1 : i32
    scf.for %scan3A_50 = %scan3A_40 to %scan3A_42 step %scan3A_43  : i32 {
      %mul3A_51 = arith.constant 2 : i32
      %mul3A_52 = arith.muli %mul3A_51, %scan3A_50 : i32
      %add3A_53 = arith.constant 1 : i32
      %add3A_54 = arith.addi %mul3A_52, %add3A_53 : i32
      %dma_start3A_55 = arith.constant 1 : i32
      %dma_start3A_56 = arith.constant 0 : i32
      %dma_start3A_57 = arith.constant 0 : i32
      %dma_start3A_58 = tpu.memref_slice %arg9[%dma_start3A_55, %dma_start3A_56, %dma_start3A_57] : memref<2x128x128xf32, #tpu.memory_space<vmem>> -> memref<1x128x128xf32, #tpu.memory_space<vmem>>
      %dma_start3A_59 = tpu.memref_squeeze %dma_start3A_58 : memref<1x128x128xf32, #tpu.memory_space<vmem>> -> memref<128x128xf32, #tpu.memory_space<vmem>>
      %dma_start3A_60 = arith.constant 0 : i32
      %dma_start3A_61 = tpu.memref_slice %arg7[%add3A_54, %dma_start3A_60] : memref<40x128xi32, #tpu.memory_space<vmem>> -> memref<1x128xi32, #tpu.memory_space<vmem>>
      %dma_start3A_62 = tpu.memref_squeeze %dma_start3A_61 : memref<1x128xi32, #tpu.memory_space<vmem>> -> memref<128xi32, #tpu.memory_space<vmem>>
      %dma_start3A_63 = arith.constant 0 : i32
      %dma_start3A_64 = arith.constant 0 : i32
      %dma_start3A_65 = tpu.memref_slice %arg2[%dma_start3A_63, %dma_start3A_64] : memref<10000x128xf32, #tpu.memory_space<hbm>> -> memref<10000x128xf32, #tpu.memory_space<hbm>>
      tpu.enqueue_indirect_dma source(%dma_start3A_65 : memref<10000x128xf32, #tpu.memory_space<hbm>>) target(%dma_start3A_59 : memref<128x128xf32, #tpu.memory_space<vmem>>) offsets(%dma_start3A_62 : memref<128xi32, #tpu.memory_space<vmem>>) semaphore(%arg12 : memref<!tpu.dma_semaphore, #tpu.memory_space<semaphore_mem>>)
      %dma_wait3A = arith.constant 0 : i32
      %dma_wait3A_66 = arith.constant 0 : i32
      %dma_wait3A_67 = arith.constant 0 : i32
      %dma_wait3A_68 = tpu.memref_slice %arg9[%dma_wait3A, %dma_wait3A_66, %dma_wait3A_67] : memref<2x128x128xf32, #tpu.memory_space<vmem>> -> memref<1x128x128xf32, #tpu.memory_space<vmem>>
      %dma_wait3A_69 = tpu.memref_squeeze %dma_wait3A_68 : memref<1x128x128xf32, #tpu.memory_space<vmem>> -> memref<128x128xf32, #tpu.memory_space<vmem>>
      %dma_wait3A_70 = arith.constant 0 : i32
      %dma_wait3A_71 = tpu.memref_slice %arg7[%mul3A_52, %dma_wait3A_70] : memref<40x128xi32, #tpu.memory_space<vmem>> -> memref<1x128xi32, #tpu.memory_space<vmem>>
      %dma_wait3A_72 = tpu.memref_squeeze %dma_wait3A_71 : memref<1x128xi32, #tpu.memory_space<vmem>> -> memref<128xi32, #tpu.memory_space<vmem>>
      %dma_wait3A_73 = arith.constant 0 : i32
      %dma_wait3A_74 = arith.constant 0 : i32
      %dma_wait3A_75 = tpu.memref_slice %arg2[%dma_wait3A_73, %dma_wait3A_74] : memref<10000x128xf32, #tpu.memory_space<hbm>> -> memref<10000x128xf32, #tpu.memory_space<hbm>>
      tpu.wait_indirect_dma semaphore(%arg11 : memref<!tpu.dma_semaphore, #tpu.memory_space<semaphore_mem>>) src(%dma_wait3A_75 : memref<10000x128xf32, #tpu.memory_space<hbm>>) dst(%dma_wait3A_69 : memref<128x128xf32, #tpu.memory_space<vmem>>)
      %run_scoped3A = arith.constant 0 : i32
      "tpu.region"() ({
        %run_scoped3A_96 = tpu.sem_alloc : memref<!tpu.dma_semaphore, #tpu.memory_space<semaphore_mem>>
        %dma_start3A_97 = arith.constant 0 : i32
        %dma_start3A_98 = arith.constant 0 : i32
        %dma_start3A_99 = tpu.memref_slice %arg9[%run_scoped3A, %dma_start3A_97, %dma_start3A_98] : memref<2x128x128xf32, #tpu.memory_space<vmem>> -> memref<1x128x128xf32, #tpu.memory_space<vmem>>
        %dma_start3A_100 = tpu.memref_squeeze %dma_start3A_99 : memref<1x128x128xf32, #tpu.memory_space<vmem>> -> memref<128x128xf32, #tpu.memory_space<vmem>>
        %dma_start3A_101 = arith.constant 0 : i32
        %dma_start3A_102 = tpu.memref_slice %arg8[%mul3A_52, %dma_start3A_101] : memref<40x128xi32, #tpu.memory_space<vmem>> -> memref<1x128xi32, #tpu.memory_space<vmem>>
        %dma_start3A_103 = tpu.memref_squeeze %dma_start3A_102 : memref<1x128xi32, #tpu.memory_space<vmem>> -> memref<128xi32, #tpu.memory_space<vmem>>
        %dma_start3A_104 = arith.constant 0 : i32
        %dma_start3A_105 = arith.constant 0 : i32
        %dma_start3A_106 = tpu.memref_slice %arg10[%dma_start3A_104, %dma_start3A_105] : memref<10112x128xf32, #tpu.memory_space<vmem_shared>> -> memref<10112x128xf32, #tpu.memory_space<vmem_shared>>
        tpu.enqueue_indirect_dma source(%dma_start3A_100 : memref<128x128xf32, #tpu.memory_space<vmem>>) target(%dma_start3A_106 : memref<10112x128xf32, #tpu.memory_space<vmem_shared>>) offsets(%dma_start3A_103 : memref<128xi32, #tpu.memory_space<vmem>>) semaphore(%run_scoped3A_96 : memref<!tpu.dma_semaphore, #tpu.memory_space<semaphore_mem>>) {add = true}
        %dma_wait3A_107 = arith.constant 0 : i32
        %dma_wait3A_108 = arith.constant 0 : i32
        %dma_wait3A_109 = tpu.memref_slice %arg9[%run_scoped3A, %dma_wait3A_107, %dma_wait3A_108] : memref<2x128x128xf32, #tpu.memory_space<vmem>> -> memref<1x128x128xf32, #tpu.memory_space<vmem>>
        %dma_wait3A_110 = tpu.memref_squeeze %dma_wait3A_109 : memref<1x128x128xf32, #tpu.memory_space<vmem>> -> memref<128x128xf32, #tpu.memory_space<vmem>>
        %dma_wait3A_111 = arith.constant 0 : i32
        %dma_wait3A_112 = tpu.memref_slice %arg8[%mul3A_52, %dma_wait3A_111] : memref<40x128xi32, #tpu.memory_space<vmem>> -> memref<1x128xi32, #tpu.memory_space<vmem>>
        %dma_wait3A_113 = tpu.memref_squeeze %dma_wait3A_112 : memref<1x128xi32, #tpu.memory_space<vmem>> -> memref<128xi32, #tpu.memory_space<vmem>>
        %dma_wait3A_114 = arith.constant 0 : i32
        %dma_wait3A_115 = arith.constant 0 : i32
        %dma_wait3A_116 = tpu.memref_slice %arg10[%dma_wait3A_114, %dma_wait3A_115] : memref<10112x128xf32, #tpu.memory_space<vmem_shared>> -> memref<10112x128xf32, #tpu.memory_space<vmem_shared>>
        tpu.wait_indirect_dma semaphore(%run_scoped3A_96 : memref<!tpu.dma_semaphore, #tpu.memory_space<semaphore_mem>>) src(%dma_wait3A_110 : memref<128x128xf32, #tpu.memory_space<vmem>>) dst(%dma_wait3A_116 : memref<10112x128xf32, #tpu.memory_space<vmem_shared>>)
        tpu.yield
      }) : () -> ()
      %add3A_76 = arith.constant 1 : i32
      %add3A_77 = arith.addi %scan3A_50, %add3A_76 : i32
      %lt3A = arith.constant 20 : i32
      %lt3A_78 = arith.cmpi slt, %add3A_77, %lt3A : i32
      %convert_element_type3A = arith.extui %lt3A_78 : i1 to i32
      %cond3A = arith.constant 0 : i32
      %cond3A_79 = arith.cmpi ne, %convert_element_type3A, %cond3A : i32
      scf.if %cond3A_79 {
        %add3A_96 = arith.constant 2 : i32
        %add3A_97 = arith.addi %mul3A_52, %add3A_96 : i32
        %dma_start3A_98 = arith.constant 0 : i32
        %dma_start3A_99 = arith.constant 0 : i32
        %dma_start3A_100 = arith.constant 0 : i32
        %dma_start3A_101 = tpu.memref_slice %arg9[%dma_start3A_98, %dma_start3A_99, %dma_start3A_100] : memref<2x128x128xf32, #tpu.memory_space<vmem>> -> memref<1x128x128xf32, #tpu.memory_space<vmem>>
        %dma_start3A_102 = tpu.memref_squeeze %dma_start3A_101 : memref<1x128x128xf32, #tpu.memory_space<vmem>> -> memref<128x128xf32, #tpu.memory_space<vmem>>
        %dma_start3A_103 = arith.constant 0 : i32
        %dma_start3A_104 = tpu.memref_slice %arg7[%add3A_97, %dma_start3A_103] : memref<40x128xi32, #tpu.memory_space<vmem>> -> memref<1x128xi32, #tpu.memory_space<vmem>>
        %dma_start3A_105 = tpu.memref_squeeze %dma_start3A_104 : memref<1x128xi32, #tpu.memory_space<vmem>> -> memref<128xi32, #tpu.memory_space<vmem>>
        %dma_start3A_106 = arith.constant 0 : i32
        %dma_start3A_107 = arith.constant 0 : i32
        %dma_start3A_108 = tpu.memref_slice %arg2[%dma_start3A_106, %dma_start3A_107] : memref<10000x128xf32, #tpu.memory_space<hbm>> -> memref<10000x128xf32, #tpu.memory_space<hbm>>
        tpu.enqueue_indirect_dma source(%dma_start3A_108 : memref<10000x128xf32, #tpu.memory_space<hbm>>) target(%dma_start3A_102 : memref<128x128xf32, #tpu.memory_space<vmem>>) offsets(%dma_start3A_105 : memref<128xi32, #tpu.memory_space<vmem>>) semaphore(%arg11 : memref<!tpu.dma_semaphore, #tpu.memory_space<semaphore_mem>>)
      } else {
      }
      %add3A_80 = arith.constant 1 : i32
      %add3A_81 = arith.addi %mul3A_52, %add3A_80 : i32
      %dma_wait3A_82 = arith.constant 1 : i32
      %dma_wait3A_83 = arith.constant 0 : i32
      %dma_wait3A_84 = arith.constant 0 : i32
      %dma_wait3A_85 = tpu.memref_slice %arg9[%dma_wait3A_82, %dma_wait3A_83, %dma_wait3A_84] : memref<2x128x128xf32, #tpu.memory_space<vmem>> -> memref<1x128x128xf32, #tpu.memory_space<vmem>>
      %dma_wait3A_86 = tpu.memref_squeeze %dma_wait3A_85 : memref<1x128x128xf32, #tpu.memory_space<vmem>> -> memref<128x128xf32, #tpu.memory_space<vmem>>
      %dma_wait3A_87 = arith.constant 0 : i32
      %dma_wait3A_88 = tpu.memref_slice %arg7[%add3A_81, %dma_wait3A_87] : memref<40x128xi32, #tpu.memory_space<vmem>> -> memref<1x128xi32, #tpu.memory_space<vmem>>
      %dma_wait3A_89 = tpu.memref_squeeze %dma_wait3A_88 : memref<1x128xi32, #tpu.memory_space<vmem>> -> memref<128xi32, #tpu.memory_space<vmem>>
      %dma_wait3A_90 = arith.constant 0 : i32
      %dma_wait3A_91 = arith.constant 0 : i32
      %dma_wait3A_92 = tpu.memref_slice %arg2[%dma_wait3A_90, %dma_wait3A_91] : memref<10000x128xf32, #tpu.memory_space<hbm>> -> memref<10000x128xf32, #tpu.memory_space<hbm>>
      tpu.wait_indirect_dma semaphore(%arg12 : memref<!tpu.dma_semaphore, #tpu.memory_space<semaphore_mem>>) src(%dma_wait3A_92 : memref<10000x128xf32, #tpu.memory_space<hbm>>) dst(%dma_wait3A_86 : memref<128x128xf32, #tpu.memory_space<vmem>>)
      %add3A_93 = arith.constant 1 : i32
      %add3A_94 = arith.addi %mul3A_52, %add3A_93 : i32
      %run_scoped3A_95 = arith.constant 1 : i32
      "tpu.region"() ({
        %run_scoped3A_96 = tpu.sem_alloc : memref<!tpu.dma_semaphore, #tpu.memory_space<semaphore_mem>>
        %dma_start3A_97 = arith.constant 0 : i32
        %dma_start3A_98 = arith.constant 0 : i32
        %dma_start3A_99 = tpu.memref_slice %arg9[%run_scoped3A_95, %dma_start3A_97, %dma_start3A_98] : memref<2x128x128xf32, #tpu.memory_space<vmem>> -> memref<1x128x128xf32, #tpu.memory_space<vmem>>
        %dma_start3A_100 = tpu.memref_squeeze %dma_start3A_99 : memref<1x128x128xf32, #tpu.memory_space<vmem>> -> memref<128x128xf32, #tpu.memory_space<vmem>>
        %dma_start3A_101 = arith.constant 0 : i32
        %dma_start3A_102 = tpu.memref_slice %arg8[%add3A_94, %dma_start3A_101] : memref<40x128xi32, #tpu.memory_space<vmem>> -> memref<1x128xi32, #tpu.memory_space<vmem>>
        %dma_start3A_103 = tpu.memref_squeeze %dma_start3A_102 : memref<1x128xi32, #tpu.memory_space<vmem>> -> memref<128xi32, #tpu.memory_space<vmem>>
        %dma_start3A_104 = arith.constant 0 : i32
        %dma_start3A_105 = arith.constant 0 : i32
        %dma_start3A_106 = tpu.memref_slice %arg10[%dma_start3A_104, %dma_start3A_105] : memref<10112x128xf32, #tpu.memory_space<vmem_shared>> -> memref<10112x128xf32, #tpu.memory_space<vmem_shared>>
        tpu.enqueue_indirect_dma source(%dma_start3A_100 : memref<128x128xf32, #tpu.memory_space<vmem>>) target(%dma_start3A_106 : memref<10112x128xf32, #tpu.memory_space<vmem_shared>>) offsets(%dma_start3A_103 : memref<128xi32, #tpu.memory_space<vmem>>) semaphore(%run_scoped3A_96 : memref<!tpu.dma_semaphore, #tpu.memory_space<semaphore_mem>>) {add = true}
        %dma_wait3A_107 = arith.constant 0 : i32
        %dma_wait3A_108 = arith.constant 0 : i32
        %dma_wait3A_109 = tpu.memref_slice %arg9[%run_scoped3A_95, %dma_wait3A_107, %dma_wait3A_108] : memref<2x128x128xf32, #tpu.memory_space<vmem>> -> memref<1x128x128xf32, #tpu.memory_space<vmem>>
        %dma_wait3A_110 = tpu.memref_squeeze %dma_wait3A_109 : memref<1x128x128xf32, #tpu.memory_space<vmem>> -> memref<128x128xf32, #tpu.memory_space<vmem>>
        %dma_wait3A_111 = arith.constant 0 : i32
        %dma_wait3A_112 = tpu.memref_slice %arg8[%add3A_94, %dma_wait3A_111] : memref<40x128xi32, #tpu.memory_space<vmem>> -> memref<1x128xi32, #tpu.memory_space<vmem>>
        %dma_wait3A_113 = tpu.memref_squeeze %dma_wait3A_112 : memref<1x128xi32, #tpu.memory_space<vmem>> -> memref<128xi32, #tpu.memory_space<vmem>>
        %dma_wait3A_114 = arith.constant 0 : i32
        %dma_wait3A_115 = arith.constant 0 : i32
        %dma_wait3A_116 = tpu.memref_slice %arg10[%dma_wait3A_114, %dma_wait3A_115] : memref<10112x128xf32, #tpu.memory_space<vmem_shared>> -> memref<10112x128xf32, #tpu.memory_space<vmem_shared>>
        tpu.wait_indirect_dma semaphore(%run_scoped3A_96 : memref<!tpu.dma_semaphore, #tpu.memory_space<semaphore_mem>>) src(%dma_wait3A_110 : memref<128x128xf32, #tpu.memory_space<vmem>>) dst(%dma_wait3A_116 : memref<10112x128xf32, #tpu.memory_space<vmem_shared>>)
        tpu.yield
      }) : () -> ()
    }
    %scan3A_44 = arith.constant 20 : i32
    %barrier3A_45 = arith.constant 0 : index
    tpu.barrier barrier_id(%barrier3A_45)
    %mul3A_46 = arith.constant 632 : i32
    %mul3A_47 = arith.muli %arg1, %mul3A_46 : i32
    %mul3A_48 = arith.constant 632 : i32
    %mul3A_49 = arith.muli %arg1, %mul3A_48 : i32
    "tpu.region"() ({
      %run_scoped3A = tpu.sem_alloc : memref<!tpu.dma_semaphore, #tpu.memory_space<semaphore_mem>>
      %dma_start3A_50 = arith.constant 0 : i32
      %dma_start3A_51 = arith.constant 0 : i32
      %dma_start3A_52 = tpu.memref_slice %arg6[%arg0, %dma_start3A_50, %dma_start3A_51] : memref<2x10112x128xf32, #tpu.memory_space<hbm>> -> memref<1x10112x128xf32, #tpu.memory_space<hbm>>
      %dma_start3A_53 = tpu.memref_squeeze %dma_start3A_52 : memref<1x10112x128xf32, #tpu.memory_space<hbm>> -> memref<10112x128xf32, #tpu.memory_space<hbm>>
      %dma_start3A_54 = arith.constant 0 : i32
      %dma_start3A_55 = tpu.memref_slice %dma_start3A_53[%mul3A_49, %dma_start3A_54] : memref<10112x128xf32, #tpu.memory_space<hbm>> -> memref<632x128xf32, #tpu.memory_space<hbm>>
      %dma_start3A_56 = arith.constant 0 : i32
      %dma_start3A_57 = tpu.memref_slice %arg10[%mul3A_47, %dma_start3A_56] : memref<10112x128xf32, #tpu.memory_space<vmem_shared>> -> memref<632x128xf32, #tpu.memory_space<vmem_shared>>
      tpu.enqueue_dma source(%dma_start3A_57 : memref<632x128xf32, #tpu.memory_space<vmem_shared>>) target(%dma_start3A_55 : memref<632x128xf32, #tpu.memory_space<hbm>>) target_semaphore(%run_scoped3A : memref<!tpu.dma_semaphore, #tpu.memory_space<semaphore_mem>>)
      %dma_wait3A = arith.constant 0 : i32
      %dma_wait3A_58 = arith.constant 0 : i32
      %dma_wait3A_59 = tpu.memref_slice %arg6[%arg0, %dma_wait3A, %dma_wait3A_58] : memref<2x10112x128xf32, #tpu.memory_space<hbm>> -> memref<1x10112x128xf32, #tpu.memory_space<hbm>>
      %dma_wait3A_60 = tpu.memref_squeeze %dma_wait3A_59 : memref<1x10112x128xf32, #tpu.memory_space<hbm>> -> memref<10112x128xf32, #tpu.memory_space<hbm>>
      %dma_wait3A_61 = arith.constant 0 : i32
      %dma_wait3A_62 = tpu.memref_slice %dma_wait3A_60[%mul3A_49, %dma_wait3A_61] : memref<10112x128xf32, #tpu.memory_space<hbm>> -> memref<632x128xf32, #tpu.memory_space<hbm>>
      %dma_wait3A_63 = arith.constant 0 : i32
      %dma_wait3A_64 = tpu.memref_slice %arg10[%mul3A_47, %dma_wait3A_63] : memref<10112x128xf32, #tpu.memory_space<vmem_shared>> -> memref<632x128xf32, #tpu.memory_space<vmem_shared>>
      tpu.wait_dma2 semaphore(%run_scoped3A : memref<!tpu.dma_semaphore, #tpu.memory_space<semaphore_mem>>) src(%dma_wait3A_64 : memref<632x128xf32, #tpu.memory_space<vmem_shared>>) dst(%dma_wait3A_62 : memref<632x128xf32, #tpu.memory_space<hbm>>)
      tpu.yield
    }) : () -> ()
    return
  }
}

module attributes {stable_mosaic.version = 14 : i64} {
  func.func @_stats_body(%arg0: i32, %arg1: memref<2000x512xf32, #tpu.memory_space<vmem>>, %arg2: memref<2000x128xf32, #tpu.memory_space<vmem>>, %arg3: memref<1x512xf32, #tpu.memory_space<vmem>>, %arg4: memref<1x512xf32, #tpu.memory_space<vmem>>, %arg5: memref<1x128xf32, #tpu.memory_space<vmem>>, %arg6: memref<1x128xf32, #tpu.memory_space<vmem>>) attributes {dimension_semantics = [#tpu.dimension_semantics<arbitrary>], iteration_bounds = array<i64: 5>, scalar_prefetch = 0 : i64, scratch_operands = 0 : i64, tpu.core_type = #tpu.core_type<tc>, window_params = [{transform_indices = @transform_0, window_bounds = array<i64: 2000, 512>}, {transform_indices = @transform_1, window_bounds = array<i64: 2000, 128>}, {pipeline_mode = #tpu.pipeline_mode<synchronous>, transform_indices = @transform_2, window_bounds = array<i64: 1, 512>}, {pipeline_mode = #tpu.pipeline_mode<synchronous>, transform_indices = @transform_3, window_bounds = array<i64: 1, 512>}, {pipeline_mode = #tpu.pipeline_mode<synchronous>, transform_indices = @transform_4, window_bounds = array<i64: 1, 128>}, {pipeline_mode = #tpu.pipeline_mode<synchronous>, transform_indices = @transform_5, window_bounds = array<i64: 1, 128>}]} {
    %eq3A = arith.constant 0 : i32
    %eq3A_0 = arith.cmpi eq, %arg0, %eq3A : i32
    %convert_element_type3A = arith.extui %eq3A_0 : i1 to i32
    %cond3A = arith.constant 0 : i32
    %cond3A_1 = arith.cmpi ne, %convert_element_type3A, %cond3A : i32
    scf.if %cond3A_1 {
      %broadcast_in_dim3A_44 = arith.constant 0.000000e+00 : f32
      %broadcast_in_dim3A_45 = vector.broadcast %broadcast_in_dim3A_44 : f32 to vector<1x512xf32>
      %swap3A_46 = arith.constant 0 : index
      %swap3A_47 = arith.constant 0 : index
      %swap3A_48 = vector.load %arg3[%swap3A_46, %swap3A_47] : memref<1x512xf32, #tpu.memory_space<vmem>>, vector<1x512xf32>
      tpu.vector_store %arg3[%swap3A_46, %swap3A_47], %broadcast_in_dim3A_45 {strides = array<i32>} : memref<1x512xf32, #tpu.memory_space<vmem>>, vector<1x512xf32>,
      %broadcast_in_dim3A_49 = arith.constant 0.000000e+00 : f32
      %broadcast_in_dim3A_50 = vector.broadcast %broadcast_in_dim3A_49 : f32 to vector<1x512xf32>
      %swap3A_51 = arith.constant 0 : index
      %swap3A_52 = arith.constant 0 : index
      %swap3A_53 = vector.load %arg4[%swap3A_51, %swap3A_52] : memref<1x512xf32, #tpu.memory_space<vmem>>, vector<1x512xf32>
      tpu.vector_store %arg4[%swap3A_51, %swap3A_52], %broadcast_in_dim3A_50 {strides = array<i32>} : memref<1x512xf32, #tpu.memory_space<vmem>>, vector<1x512xf32>,
      %broadcast_in_dim3A_54 = arith.constant 0.000000e+00 : f32
      %broadcast_in_dim3A_55 = vector.broadcast %broadcast_in_dim3A_54 : f32 to vector<1x128xf32>
      %swap3A_56 = arith.constant 0 : index
      %swap3A_57 = arith.constant 0 : index
      %swap3A_58 = vector.load %arg5[%swap3A_56, %swap3A_57] : memref<1x128xf32, #tpu.memory_space<vmem>>, vector<1x128xf32>
      tpu.vector_store %arg5[%swap3A_56, %swap3A_57], %broadcast_in_dim3A_55 {strides = array<i32>} : memref<1x128xf32, #tpu.memory_space<vmem>>, vector<1x128xf32>,
      %broadcast_in_dim3A_59 = arith.constant 0.000000e+00 : f32
      %broadcast_in_dim3A_60 = vector.broadcast %broadcast_in_dim3A_59 : f32 to vector<1x128xf32>
      %swap3A_61 = arith.constant 0 : index
      %swap3A_62 = arith.constant 0 : index
      %swap3A_63 = vector.load %arg6[%swap3A_61, %swap3A_62] : memref<1x128xf32, #tpu.memory_space<vmem>>, vector<1x128xf32>
      tpu.vector_store %arg6[%swap3A_61, %swap3A_62], %broadcast_in_dim3A_60 {strides = array<i32>} : memref<1x128xf32, #tpu.memory_space<vmem>>, vector<1x128xf32>,
    } else {
    }
    %get3A = arith.constant 0 : index
    %get3A_2 = arith.constant 0 : index
    %get3A_3 = vector.load %arg1[%get3A, %get3A_2] : memref<2000x512xf32, #tpu.memory_space<vmem>>, vector<2000x512xf32>
    %get3A_4 = arith.constant 0 : index
    %get3A_5 = arith.constant 0 : index
    %get3A_6 = vector.load %arg2[%get3A_4, %get3A_5] : memref<2000x128xf32, #tpu.memory_space<vmem>>, vector<2000x128xf32>
    %get3A_7 = arith.constant 0 : index
    %get3A_8 = arith.constant 0 : index
    %get3A_9 = vector.load %arg3[%get3A_7, %get3A_8] : memref<1x512xf32, #tpu.memory_space<vmem>>, vector<1x512xf32>
    %reduce_sum3A = arith.constant dense<0.000000e+00> : vector<512xf32>
    %reduce_sum3A_10 = vector.multi_reduction <add>, %get3A_3, %reduce_sum3A [0] : vector<2000x512xf32> to vector<512xf32>
    %broadcast_in_dim3A = vector.shape_cast %reduce_sum3A_10 : vector<512xf32> to vector<1x512xf32>
    %add3A = arith.addf %get3A_9, %broadcast_in_dim3A : vector<1x512xf32>
    %swap3A = arith.constant 0 : index
    %swap3A_11 = arith.constant 0 : index
    %swap3A_12 = vector.load %arg3[%swap3A, %swap3A_11] : memref<1x512xf32, #tpu.memory_space<vmem>>, vector<1x512xf32>
    tpu.vector_store %arg3[%swap3A, %swap3A_11], %add3A {strides = array<i32>} : memref<1x512xf32, #tpu.memory_space<vmem>>, vector<1x512xf32>,
    %get3A_13 = arith.constant 0 : index
    %get3A_14 = arith.constant 0 : index
    %get3A_15 = vector.load %arg4[%get3A_13, %get3A_14] : memref<1x512xf32, #tpu.memory_space<vmem>>, vector<1x512xf32>
    %mul3A = arith.mulf %get3A_3, %get3A_3 : vector<2000x512xf32>
    %reduce_sum3A_16 = arith.constant dense<0.000000e+00> : vector<512xf32>
    %reduce_sum3A_17 = vector.multi_reduction <add>, %mul3A, %reduce_sum3A_16 [0] : vector<2000x512xf32> to vector<512xf32>
    %broadcast_in_dim3A_18 = vector.shape_cast %reduce_sum3A_17 : vector<512xf32> to vector<1x512xf32>
    %add3A_19 = arith.addf %get3A_15, %broadcast_in_dim3A_18 : vector<1x512xf32>
    %swap3A_20 = arith.constant 0 : index
    %swap3A_21 = arith.constant 0 : index
    %swap3A_22 = vector.load %arg4[%swap3A_20, %swap3A_21] : memref<1x512xf32, #tpu.memory_space<vmem>>, vector<1x512xf32>
    tpu.vector_store %arg4[%swap3A_20, %swap3A_21], %add3A_19 {strides = array<i32>} : memref<1x512xf32, #tpu.memory_space<vmem>>, vector<1x512xf32>,
    %get3A_23 = arith.constant 0 : index
    %get3A_24 = arith.constant 0 : index
    %get3A_25 = vector.load %arg5[%get3A_23, %get3A_24] : memref<1x128xf32, #tpu.memory_space<vmem>>, vector<1x128xf32>
    %reduce_sum3A_26 = arith.constant dense<0.000000e+00> : vector<128xf32>
    %reduce_sum3A_27 = vector.multi_reduction <add>, %get3A_6, %reduce_sum3A_26 [0] : vector<2000x128xf32> to vector<128xf32>
    %broadcast_in_dim3A_28 = vector.shape_cast %reduce_sum3A_27 : vector<128xf32> to vector<1x128xf32>
    %add3A_29 = arith.addf %get3A_25, %broadcast_in_dim3A_28 : vector<1x128xf32>
    %swap3A_30 = arith.constant 0 : index
    %swap3A_31 = arith.constant 0 : index
    %swap3A_32 = vector.load %arg5[%swap3A_30, %swap3A_31] : memref<1x128xf32, #tpu.memory_space<vmem>>, vector<1x128xf32>
    tpu.vector_store %arg5[%swap3A_30, %swap3A_31], %add3A_29 {strides = array<i32>} : memref<1x128xf32, #tpu.memory_space<vmem>>, vector<1x128xf32>,
    %get3A_33 = arith.constant 0 : index
    %get3A_34 = arith.constant 0 : index
    %get3A_35 = vector.load %arg6[%get3A_33, %get3A_34] : memref<1x128xf32, #tpu.memory_space<vmem>>, vector<1x128xf32>
    %mul3A_36 = arith.mulf %get3A_6, %get3A_6 : vector<2000x128xf32>
    %reduce_sum3A_37 = arith.constant dense<0.000000e+00> : vector<128xf32>
    %reduce_sum3A_38 = vector.multi_reduction <add>, %mul3A_36, %reduce_sum3A_37 [0] : vector<2000x128xf32> to vector<128xf32>
    %broadcast_in_dim3A_39 = vector.shape_cast %reduce_sum3A_38 : vector<128xf32> to vector<1x128xf32>
    %add3A_40 = arith.addf %get3A_35, %broadcast_in_dim3A_39 : vector<1x128xf32>
    %swap3A_41 = arith.constant 0 : index
    %swap3A_42 = arith.constant 0 : index
    %swap3A_43 = vector.load %arg6[%swap3A_41, %swap3A_42] : memref<1x128xf32, #tpu.memory_space<vmem>>, vector<1x128xf32>
    tpu.vector_store %arg6[%swap3A_41, %swap3A_42], %add3A_40 {strides = array<i32>} : memref<1x128xf32, #tpu.memory_space<vmem>>, vector<1x128xf32>,
    return
  }
  func.func @transform_0(%arg0: i32) -> (i32, i32) {
    %c0_i32 = arith.constant 0 : i32
    %c0_i32_0 = arith.constant 0 : i32
    return %arg0, %c0_i32 : i32, i32
  }
  func.func @transform_1(%arg0: i32) -> (i32, i32) {
    %c0_i32 = arith.constant 0 : i32
    %c0_i32_0 = arith.constant 0 : i32
    return %arg0, %c0_i32 : i32, i32
  }
  func.func @transform_2(%arg0: i32) -> (i32, i32) {
    %c0_i32 = arith.constant 0 : i32
    %c0_i32_0 = arith.constant 0 : i32
    %c0_i32_1 = arith.constant 0 : i32
    return %c0_i32, %c0_i32_0 : i32, i32
  }
  func.func @transform_3(%arg0: i32) -> (i32, i32) {
    %c0_i32 = arith.constant 0 : i32
    %c0_i32_0 = arith.constant 0 : i32
    %c0_i32_1 = arith.constant 0 : i32
    return %c0_i32, %c0_i32_0 : i32, i32
  }
  func.func @transform_4(%arg0: i32) -> (i32, i32) {
    %c0_i32 = arith.constant 0 : i32
    %c0_i32_0 = arith.constant 0 : i32
    %c0_i32_1 = arith.constant 0 : i32
    return %c0_i32, %c0_i32_0 : i32, i32
  }
  func.func @transform_5(%arg0: i32) -> (i32, i32) {
    %c0_i32 = arith.constant 0 : i32
    %c0_i32_0 = arith.constant 0 : i32
    %c0_i32_1 = arith.constant 0 : i32
    return %c0_i32, %c0_i32_0 : i32, i32
  }
}

module attributes {stable_mosaic.version = 14 : i64} {
  func.func @_embed_body(%arg0: i32, %arg1: memref<2000x512xf32, #tpu.memory_space<vmem>>, %arg2: memref<2000x128xf32, #tpu.memory_space<vmem>>, %arg3: memref<1x512xf32, #tpu.memory_space<vmem>>, %arg4: memref<1x512xf32, #tpu.memory_space<vmem>>, %arg5: memref<1x128xf32, #tpu.memory_space<vmem>>, %arg6: memref<1x128xf32, #tpu.memory_space<vmem>>, %arg7: memref<1x512xf32, #tpu.memory_space<vmem>>, %arg8: memref<1x512xf32, #tpu.memory_space<vmem>>, %arg9: memref<512x64xf32, #tpu.memory_space<vmem>>, %arg10: memref<1x64xf32, #tpu.memory_space<vmem>>, %arg11: memref<1x128xf32, #tpu.memory_space<vmem>>, %arg12: memref<1x128xf32, #tpu.memory_space<vmem>>, %arg13: memref<128x64xf32, #tpu.memory_space<vmem>>, %arg14: memref<1x64xf32, #tpu.memory_space<vmem>>, %arg15: memref<2000x128xf32, #tpu.memory_space<vmem>>, %arg16: memref<1x128xf32, #tpu.memory_space<vmem>>, %arg17: memref<1x128xf32, #tpu.memory_space<vmem>>) attributes {dimension_semantics = [#tpu.dimension_semantics<arbitrary>], iteration_bounds = array<i64: 5>, scalar_prefetch = 0 : i64, scratch_operands = 0 : i64, tpu.core_type = #tpu.core_type<tc>, window_params = [{transform_indices = @transform_0, window_bounds = array<i64: 2000, 512>}, {transform_indices = @transform_1, window_bounds = array<i64: 2000, 128>}, {pipeline_mode = #tpu.pipeline_mode<synchronous>, transform_indices = @transform_2, window_bounds = array<i64: 1, 512>}, {pipeline_mode = #tpu.pipeline_mode<synchronous>, transform_indices = @transform_3, window_bounds = array<i64: 1, 512>}, {pipeline_mode = #tpu.pipeline_mode<synchronous>, transform_indices = @transform_4, window_bounds = array<i64: 1, 128>}, {pipeline_mode = #tpu.pipeline_mode<synchronous>, transform_indices = @transform_5, window_bounds = array<i64: 1, 128>}, {pipeline_mode = #tpu.pipeline_mode<synchronous>, transform_indices = @transform_6, window_bounds = array<i64: 1, 512>}, {pipeline_mode = #tpu.pipeline_mode<synchronous>, transform_indices = @transform_7, window_bounds = array<i64: 1, 512>}, {pipeline_mode = #tpu.pipeline_mode<synchronous>, transform_indices = @transform_8, window_bounds = array<i64: 512, 64>}, {pipeline_mode = #tpu.pipeline_mode<synchronous>, transform_indices = @transform_9, window_bounds = array<i64: 1, 64>}, {pipeline_mode = #tpu.pipeline_mode<synchronous>, transform_indices = @transform_10, window_bounds = array<i64: 1, 128>}, {pipeline_mode = #tpu.pipeline_mode<synchronous>, transform_indices = @transform_11, window_bounds = array<i64: 1, 128>}, {pipeline_mode = #tpu.pipeline_mode<synchronous>, transform_indices = @transform_12, window_bounds = array<i64: 128, 64>}, {pipeline_mode = #tpu.pipeline_mode<synchronous>, transform_indices = @transform_13, window_bounds = array<i64: 1, 64>}, {transform_indices = @transform_14, window_bounds = array<i64: 2000, 128>}, {pipeline_mode = #tpu.pipeline_mode<synchronous>, transform_indices = @transform_15, window_bounds = array<i64: 1, 128>}, {pipeline_mode = #tpu.pipeline_mode<synchronous>, transform_indices = @transform_16, window_bounds = array<i64: 1, 128>}]} {
    %get3A = arith.constant 0 : index
    %get3A_0 = arith.constant 0 : index
    %get3A_1 = vector.load %arg3[%get3A, %get3A_0] : memref<1x512xf32, #tpu.memory_space<vmem>>, vector<1x512xf32>
    %mul3A = arith.constant 9.99999974E-5 : f32
    %mul3A_2 = vector.broadcast %mul3A : f32 to vector<1x512xf32>
    %mul3A_3 = arith.mulf %get3A_1, %mul3A_2 : vector<1x512xf32>
    %get3A_4 = arith.constant 0 : index
    %get3A_5 = arith.constant 0 : index
    %get3A_6 = vector.load %arg4[%get3A_4, %get3A_5] : memref<1x512xf32, #tpu.memory_space<vmem>>, vector<1x512xf32>
    %mul3A_7 = arith.constant 9.99999974E-5 : f32
    %mul3A_8 = vector.broadcast %mul3A_7 : f32 to vector<1x512xf32>
    %mul3A_9 = arith.mulf %get3A_6, %mul3A_8 : vector<1x512xf32>
    %mul3A_10 = arith.mulf %mul3A_3, %mul3A_3 : vector<1x512xf32>
    %sub3A = arith.subf %mul3A_9, %mul3A_10 : vector<1x512xf32>
    %get3A_11 = arith.constant 0 : index
    %get3A_12 = arith.constant 0 : index
    %get3A_13 = vector.load %arg7[%get3A_11, %get3A_12] : memref<1x512xf32, #tpu.memory_space<vmem>>, vector<1x512xf32>
    %add3A = arith.constant 9.99999974E-6 : f32
    %add3A_14 = vector.broadcast %add3A : f32 to vector<1x512xf32>
    %add3A_15 = arith.addf %sub3A, %add3A_14 : vector<1x512xf32>
    %rsqrt3A = math.rsqrt %add3A_15 : vector<1x512xf32>
    %mul3A_16 = arith.mulf %get3A_13, %rsqrt3A : vector<1x512xf32>
    %get3A_17 = arith.constant 0 : index
    %get3A_18 = arith.constant 0 : index
    %get3A_19 = vector.load %arg8[%get3A_17, %get3A_18] : memref<1x512xf32, #tpu.memory_space<vmem>>, vector<1x512xf32>
    %mul3A_20 = arith.mulf %mul3A_3, %mul3A_16 : vector<1x512xf32>
    %sub3A_21 = arith.subf %get3A_19, %mul3A_20 : vector<1x512xf32>
    %get3A_22 = arith.constant 0 : index
    %get3A_23 = arith.constant 0 : index
    %get3A_24 = vector.load %arg1[%get3A_22, %get3A_23] : memref<2000x512xf32, #tpu.memory_space<vmem>>, vector<2000x512xf32>
    %mul3A_25 = vector.broadcast %mul3A_16 : vector<1x512xf32> to vector<2000x512xf32>
    %mul3A_26 = arith.mulf %get3A_24, %mul3A_25 : vector<2000x512xf32>
    %add3A_27 = vector.broadcast %sub3A_21 : vector<1x512xf32> to vector<2000x512xf32>
    %add3A_28 = arith.addf %mul3A_26, %add3A_27 : vector<2000x512xf32>
    %get3A_29 = arith.constant 0 : index
    %get3A_30 = arith.constant 0 : index
    %get3A_31 = vector.load %arg9[%get3A_29, %get3A_30] : memref<512x64xf32, #tpu.memory_space<vmem>>, vector<512x64xf32>
    %dot_general3A = arith.constant dense<0.000000e+00> : vector<2000x64xf32>
    %dot_general3A_32 = tpu.matmul %add3A_28, %get3A_31, %dot_general3A {dimension_numbers = #tpu.dot_dimension_numbers<[1], [0], [0], [1], [0, 0, 1, 1], [], []>, transpose_lhs_hint = false} : vector<2000x512xf32>, vector<512x64xf32>, vector<2000x64xf32> -> vector<2000x64xf32>
    %get3A_33 = arith.constant 0 : index
    %get3A_34 = arith.constant 0 : index
    %get3A_35 = vector.load %arg10[%get3A_33, %get3A_34] : memref<1x64xf32, #tpu.memory_space<vmem>>, vector<1x64xf32>
    %add3A_36 = vector.broadcast %get3A_35 : vector<1x64xf32> to vector<2000x64xf32>
    %add3A_37 = arith.addf %dot_general3A_32, %add3A_36 : vector<2000x64xf32>
    %max3A = arith.constant 0.000000e+00 : f32
    %max3A_38 = vector.broadcast %max3A : f32 to vector<2000x64xf32>
    %max3A_39 = arith.maximumf %add3A_37, %max3A_38 : vector<2000x64xf32>
    %get3A_40 = arith.constant 0 : index
    %get3A_41 = arith.constant 0 : index
    %get3A_42 = vector.load %arg5[%get3A_40, %get3A_41] : memref<1x128xf32, #tpu.memory_space<vmem>>, vector<1x128xf32>
    %mul3A_43 = arith.constant 9.99999974E-5 : f32
    %mul3A_44 = vector.broadcast %mul3A_43 : f32 to vector<1x128xf32>
    %mul3A_45 = arith.mulf %get3A_42, %mul3A_44 : vector<1x128xf32>
    %get3A_46 = arith.constant 0 : index
    %get3A_47 = arith.constant 0 : index
    %get3A_48 = vector.load %arg6[%get3A_46, %get3A_47] : memref<1x128xf32, #tpu.memory_space<vmem>>, vector<1x128xf32>
    %mul3A_49 = arith.constant 9.99999974E-5 : f32
    %mul3A_50 = vector.broadcast %mul3A_49 : f32 to vector<1x128xf32>
    %mul3A_51 = arith.mulf %get3A_48, %mul3A_50 : vector<1x128xf32>
    %mul3A_52 = arith.mulf %mul3A_45, %mul3A_45 : vector<1x128xf32>
    %sub3A_53 = arith.subf %mul3A_51, %mul3A_52 : vector<1x128xf32>
    %get3A_54 = arith.constant 0 : index
    %get3A_55 = arith.constant 0 : index
    %get3A_56 = vector.load %arg11[%get3A_54, %get3A_55] : memref<1x128xf32, #tpu.memory_space<vmem>>, vector<1x128xf32>
    %add3A_57 = arith.constant 9.99999974E-6 : f32
    %add3A_58 = vector.broadcast %add3A_57 : f32 to vector<1x128xf32>
    %add3A_59 = arith.addf %sub3A_53, %add3A_58 : vector<1x128xf32>
    %rsqrt3A_60 = math.rsqrt %add3A_59 : vector<1x128xf32>
    %mul3A_61 = arith.mulf %get3A_56, %rsqrt3A_60 : vector<1x128xf32>
    %get3A_62 = arith.constant 0 : index
    %get3A_63 = arith.constant 0 : index
    %get3A_64 = vector.load %arg12[%get3A_62, %get3A_63] : memref<1x128xf32, #tpu.memory_space<vmem>>, vector<1x128xf32>
    %mul3A_65 = arith.mulf %mul3A_45, %mul3A_61 : vector<1x128xf32>
    %sub3A_66 = arith.subf %get3A_64, %mul3A_65 : vector<1x128xf32>
    %get3A_67 = arith.constant 0 : index
    %get3A_68 = arith.constant 0 : index
    %get3A_69 = vector.load %arg2[%get3A_67, %get3A_68] : memref<2000x128xf32, #tpu.memory_space<vmem>>, vector<2000x128xf32>
    %mul3A_70 = vector.broadcast %mul3A_61 : vector<1x128xf32> to vector<2000x128xf32>
    %mul3A_71 = arith.mulf %get3A_69, %mul3A_70 : vector<2000x128xf32>
    %add3A_72 = vector.broadcast %sub3A_66 : vector<1x128xf32> to vector<2000x128xf32>
    %add3A_73 = arith.addf %mul3A_71, %add3A_72 : vector<2000x128xf32>
    %get3A_74 = arith.constant 0 : index
    %get3A_75 = arith.constant 0 : index
    %get3A_76 = vector.load %arg13[%get3A_74, %get3A_75] : memref<128x64xf32, #tpu.memory_space<vmem>>, vector<128x64xf32>
    %dot_general3A_77 = arith.constant dense<0.000000e+00> : vector<2000x64xf32>
    %dot_general3A_78 = tpu.matmul %add3A_73, %get3A_76, %dot_general3A_77 {dimension_numbers = #tpu.dot_dimension_numbers<[1], [0], [0], [1], [0, 0, 1, 1], [], []>, transpose_lhs_hint = false} : vector<2000x128xf32>, vector<128x64xf32>, vector<2000x64xf32> -> vector<2000x64xf32>
    %get3A_79 = arith.constant 0 : index
    %get3A_80 = arith.constant 0 : index
    %get3A_81 = vector.load %arg14[%get3A_79, %get3A_80] : memref<1x64xf32, #tpu.memory_space<vmem>>, vector<1x64xf32>
    %add3A_82 = vector.broadcast %get3A_81 : vector<1x64xf32> to vector<2000x64xf32>
    %add3A_83 = arith.addf %dot_general3A_78, %add3A_82 : vector<2000x64xf32>
    %max3A_84 = arith.constant 0.000000e+00 : f32
    %max3A_85 = vector.broadcast %max3A_84 : f32 to vector<2000x64xf32>
    %max3A_86 = arith.maximumf %add3A_83, %max3A_85 : vector<2000x64xf32>
    %concatenate3A = tpu.concatenate %max3A_39, %max3A_86 in 1 : vector<2000x64xf32>, vector<2000x64xf32> -> vector<2000x128xf32>
    %swap3A = arith.constant 0 : index
    %swap3A_87 = arith.constant 0 : index
    %swap3A_88 = vector.load %arg15[%swap3A, %swap3A_87] : memref<2000x128xf32, #tpu.memory_space<vmem>>, vector<2000x128xf32>
    tpu.vector_store %arg15[%swap3A, %swap3A_87], %concatenate3A {strides = array<i32>} : memref<2000x128xf32, #tpu.memory_space<vmem>>, vector<2000x128xf32>,
    %eq3A = arith.constant 0 : i32
    %eq3A_89 = arith.cmpi eq, %arg0, %eq3A : i32
    %convert_element_type3A = arith.extui %eq3A_89 : i1 to i32
    %cond3A = arith.constant 0 : i32
    %cond3A_90 = arith.cmpi ne, %convert_element_type3A, %cond3A : i32
    scf.if %cond3A_90 {
      %broadcast_in_dim3A_110 = arith.constant 0.000000e+00 : f32
      %broadcast_in_dim3A_111 = vector.broadcast %broadcast_in_dim3A_110 : f32 to vector<1x128xf32>
      %swap3A_112 = arith.constant 0 : index
      %swap3A_113 = arith.constant 0 : index
      %swap3A_114 = vector.load %arg16[%swap3A_112, %swap3A_113] : memref<1x128xf32, #tpu.memory_space<vmem>>, vector<1x128xf32>
      tpu.vector_store %arg16[%swap3A_112, %swap3A_113], %broadcast_in_dim3A_111 {strides = array<i32>} : memref<1x128xf32, #tpu.memory_space<vmem>>, vector<1x128xf32>,
      %broadcast_in_dim3A_115 = arith.constant 0.000000e+00 : f32
      %broadcast_in_dim3A_116 = vector.broadcast %broadcast_in_dim3A_115 : f32 to vector<1x128xf32>
      %swap3A_117 = arith.constant 0 : index
      %swap3A_118 = arith.constant 0 : index
      %swap3A_119 = vector.load %arg17[%swap3A_117, %swap3A_118] : memref<1x128xf32, #tpu.memory_space<vmem>>, vector<1x128xf32>
      tpu.vector_store %arg17[%swap3A_117, %swap3A_118], %broadcast_in_dim3A_116 {strides = array<i32>} : memref<1x128xf32, #tpu.memory_space<vmem>>, vector<1x128xf32>,
    } else {
    }
    %get3A_91 = arith.constant 0 : index
    %get3A_92 = arith.constant 0 : index
    %get3A_93 = vector.load %arg16[%get3A_91, %get3A_92] : memref<1x128xf32, #tpu.memory_space<vmem>>, vector<1x128xf32>
    %reduce_sum3A = arith.constant dense<0.000000e+00> : vector<128xf32>
    %reduce_sum3A_94 = vector.multi_reduction <add>, %concatenate3A, %reduce_sum3A [0] : vector<2000x128xf32> to vector<128xf32>
    %broadcast_in_dim3A = vector.shape_cast %reduce_sum3A_94 : vector<128xf32> to vector<1x128xf32>
    %add3A_95 = arith.addf %get3A_93, %broadcast_in_dim3A : vector<1x128xf32>
    %swap3A_96 = arith.constant 0 : index
    %swap3A_97 = arith.constant 0 : index
    %swap3A_98 = vector.load %arg16[%swap3A_96, %swap3A_97] : memref<1x128xf32, #tpu.memory_space<vmem>>, vector<1x128xf32>
    tpu.vector_store %arg16[%swap3A_96, %swap3A_97], %add3A_95 {strides = array<i32>} : memref<1x128xf32, #tpu.memory_space<vmem>>, vector<1x128xf32>,
    %get3A_99 = arith.constant 0 : index
    %get3A_100 = arith.constant 0 : index
    %get3A_101 = vector.load %arg17[%get3A_99, %get3A_100] : memref<1x128xf32, #tpu.memory_space<vmem>>, vector<1x128xf32>
    %mul3A_102 = arith.mulf %concatenate3A, %concatenate3A : vector<2000x128xf32>
    %reduce_sum3A_103 = arith.constant dense<0.000000e+00> : vector<128xf32>
    %reduce_sum3A_104 = vector.multi_reduction <add>, %mul3A_102, %reduce_sum3A_103 [0] : vector<2000x128xf32> to vector<128xf32>
    %broadcast_in_dim3A_105 = vector.shape_cast %reduce_sum3A_104 : vector<128xf32> to vector<1x128xf32>
    %add3A_106 = arith.addf %get3A_101, %broadcast_in_dim3A_105 : vector<1x128xf32>
    %swap3A_107 = arith.constant 0 : index
    %swap3A_108 = arith.constant 0 : index
    %swap3A_109 = vector.load %arg17[%swap3A_107, %swap3A_108] : memref<1x128xf32, #tpu.memory_space<vmem>>, vector<1x128xf32>
    tpu.vector_store %arg17[%swap3A_107, %swap3A_108], %add3A_106 {strides = array<i32>} : memref<1x128xf32, #tpu.memory_space<vmem>>, vector<1x128xf32>,
    return
  }
  func.func @transform_0(%arg0: i32) -> (i32, i32) {
    %c0_i32 = arith.constant 0 : i32
    %c0_i32_0 = arith.constant 0 : i32
    return %arg0, %c0_i32 : i32, i32
  }
  func.func @transform_1(%arg0: i32) -> (i32, i32) {
    %c0_i32 = arith.constant 0 : i32
    %c0_i32_0 = arith.constant 0 : i32
    return %arg0, %c0_i32 : i32, i32
  }
  func.func @transform_2(%arg0: i32) -> (i32, i32) {
    %c0_i32 = arith.constant 0 : i32
    %c0_i32_0 = arith.constant 0 : i32
    %c0_i32_1 = arith.constant 0 : i32
    return %c0_i32, %c0_i32_0 : i32, i32
  }
  func.func @transform_3(%arg0: i32) -> (i32, i32) {
    %c0_i32 = arith.constant 0 : i32
    %c0_i32_0 = arith.constant 0 : i32
    %c0_i32_1 = arith.constant 0 : i32
    return %c0_i32, %c0_i32_0 : i32, i32
  }
  func.func @transform_4(%arg0: i32) -> (i32, i32) {
    %c0_i32 = arith.constant 0 : i32
    %c0_i32_0 = arith.constant 0 : i32
    %c0_i32_1 = arith.constant 0 : i32
    return %c0_i32, %c0_i32_0 : i32, i32
  }
  func.func @transform_5(%arg0: i32) -> (i32, i32) {
    %c0_i32 = arith.constant 0 : i32
    %c0_i32_0 = arith.constant 0 : i32
    %c0_i32_1 = arith.constant 0 : i32
    return %c0_i32, %c0_i32_0 : i32, i32
  }
  func.func @transform_6(%arg0: i32) -> (i32, i32) {
    %c0_i32 = arith.constant 0 : i32
    %c0_i32_0 = arith.constant 0 : i32
    %c0_i32_1 = arith.constant 0 : i32
    return %c0_i32, %c0_i32_0 : i32, i32
  }
  func.func @transform_7(%arg0: i32) -> (i32, i32) {
    %c0_i32 = arith.constant 0 : i32
    %c0_i32_0 = arith.constant 0 : i32
    %c0_i32_1 = arith.constant 0 : i32
    return %c0_i32, %c0_i32_0 : i32, i32
  }
  func.func @transform_8(%arg0: i32) -> (i32, i32) {
    %c0_i32 = arith.constant 0 : i32
    %c0_i32_0 = arith.constant 0 : i32
    %c0_i32_1 = arith.constant 0 : i32
    return %c0_i32, %c0_i32_0 : i32, i32
  }
  func.func @transform_9(%arg0: i32) -> (i32, i32) {
    %c0_i32 = arith.constant 0 : i32
    %c0_i32_0 = arith.constant 0 : i32
    %c0_i32_1 = arith.constant 0 : i32
    return %c0_i32, %c0_i32_0 : i32, i32
  }
  func.func @transform_10(%arg0: i32) -> (i32, i32) {
    %c0_i32 = arith.constant 0 : i32
    %c0_i32_0 = arith.constant 0 : i32
    %c0_i32_1 = arith.constant 0 : i32
    return %c0_i32, %c0_i32_0 : i32, i32
  }
  func.func @transform_11(%arg0: i32) -> (i32, i32) {
    %c0_i32 = arith.constant 0 : i32
    %c0_i32_0 = arith.constant 0 : i32
    %c0_i32_1 = arith.constant 0 : i32
    return %c0_i32, %c0_i32_0 : i32, i32
  }
  func.func @transform_12(%arg0: i32) -> (i32, i32) {
    %c0_i32 = arith.constant 0 : i32
    %c0_i32_0 = arith.constant 0 : i32
    %c0_i32_1 = arith.constant 0 : i32
    return %c0_i32, %c0_i32_0 : i32, i32
  }
  func.func @transform_13(%arg0: i32) -> (i32, i32) {
    %c0_i32 = arith.constant 0 : i32
    %c0_i32_0 = arith.constant 0 : i32
    %c0_i32_1 = arith.constant 0 : i32
    return %c0_i32, %c0_i32_0 : i32, i32
  }
  func.func @transform_14(%arg0: i32) -> (i32, i32) {
    %c0_i32 = arith.constant 0 : i32
    %c0_i32_0 = arith.constant 0 : i32
    return %arg0, %c0_i32 : i32, i32
  }
  func.func @transform_15(%arg0: i32) -> (i32, i32) {
    %c0_i32 = arith.constant 0 : i32
    %c0_i32_0 = arith.constant 0 : i32
    %c0_i32_1 = arith.constant 0 : i32
    return %c0_i32, %c0_i32_0 : i32, i32
  }
  func.func @transform_16(%arg0: i32) -> (i32, i32) {
    %c0_i32 = arith.constant 0 : i32
    %c0_i32_0 = arith.constant 0 : i32
    %c0_i32_1 = arith.constant 0 : i32
    return %c0_i32, %c0_i32_0 : i32, i32
  }
}

module attributes {stable_mosaic.version = 14 : i64} {
  func.func @_hprime_body(%arg0: i32, %arg1: memref<2000x128xf32, #tpu.memory_space<vmem>>, %arg2: memref<1x128xf32, #tpu.memory_space<vmem>>, %arg3: memref<1x128xf32, #tpu.memory_space<vmem>>, %arg4: memref<1x128xf32, #tpu.memory_space<vmem>>, %arg5: memref<1x128xf32, #tpu.memory_space<vmem>>, %arg6: memref<128x128xf32, #tpu.memory_space<vmem>>, %arg7: memref<2000x1xf32, #tpu.memory_space<vmem>>, %arg8: memref<2000x1xf32, #tpu.memory_space<vmem>>, %arg9: memref<2000x128xf32, #tpu.memory_space<vmem>>) attributes {dimension_semantics = [#tpu.dimension_semantics<arbitrary>], iteration_bounds = array<i64: 5>, scalar_prefetch = 0 : i64, scratch_operands = 0 : i64, tpu.core_type = #tpu.core_type<tc>, window_params = [{transform_indices = @transform_0, window_bounds = array<i64: 2000, 128>}, {pipeline_mode = #tpu.pipeline_mode<synchronous>, transform_indices = @transform_1, window_bounds = array<i64: 1, 128>}, {pipeline_mode = #tpu.pipeline_mode<synchronous>, transform_indices = @transform_2, window_bounds = array<i64: 1, 128>}, {pipeline_mode = #tpu.pipeline_mode<synchronous>, transform_indices = @transform_3, window_bounds = array<i64: 1, 128>}, {pipeline_mode = #tpu.pipeline_mode<synchronous>, transform_indices = @transform_4, window_bounds = array<i64: 1, 128>}, {pipeline_mode = #tpu.pipeline_mode<synchronous>, transform_indices = @transform_5, window_bounds = array<i64: 128, 128>}, {transform_indices = @transform_6, window_bounds = array<i64: 2000, 1>}, {transform_indices = @transform_7, window_bounds = array<i64: 2000, 1>}, {transform_indices = @transform_8, window_bounds = array<i64: 2000, 128>}]} {
    %get3A = arith.constant 0 : index
    %get3A_0 = arith.constant 0 : index
    %get3A_1 = vector.load %arg2[%get3A, %get3A_0] : memref<1x128xf32, #tpu.memory_space<vmem>>, vector<1x128xf32>
    %mul3A = arith.constant 9.99999974E-5 : f32
    %mul3A_2 = vector.broadcast %mul3A : f32 to vector<1x128xf32>
    %mul3A_3 = arith.mulf %get3A_1, %mul3A_2 : vector<1x128xf32>
    %get3A_4 = arith.constant 0 : index
    %get3A_5 = arith.constant 0 : index
    %get3A_6 = vector.load %arg3[%get3A_4, %get3A_5] : memref<1x128xf32, #tpu.memory_space<vmem>>, vector<1x128xf32>
    %mul3A_7 = arith.constant 9.99999974E-5 : f32
    %mul3A_8 = vector.broadcast %mul3A_7 : f32 to vector<1x128xf32>
    %mul3A_9 = arith.mulf %get3A_6, %mul3A_8 : vector<1x128xf32>
    %mul3A_10 = arith.mulf %mul3A_3, %mul3A_3 : vector<1x128xf32>
    %sub3A = arith.subf %mul3A_9, %mul3A_10 : vector<1x128xf32>
    %get3A_11 = arith.constant 0 : index
    %get3A_12 = arith.constant 0 : index
    %get3A_13 = vector.load %arg4[%get3A_11, %get3A_12] : memref<1x128xf32, #tpu.memory_space<vmem>>, vector<1x128xf32>
    %add3A = arith.constant 9.99999974E-6 : f32
    %add3A_14 = vector.broadcast %add3A : f32 to vector<1x128xf32>
    %add3A_15 = arith.addf %sub3A, %add3A_14 : vector<1x128xf32>
    %rsqrt3A = math.rsqrt %add3A_15 : vector<1x128xf32>
    %mul3A_16 = arith.mulf %get3A_13, %rsqrt3A : vector<1x128xf32>
    %get3A_17 = arith.constant 0 : index
    %get3A_18 = arith.constant 0 : index
    %get3A_19 = vector.load %arg5[%get3A_17, %get3A_18] : memref<1x128xf32, #tpu.memory_space<vmem>>, vector<1x128xf32>
    %mul3A_20 = arith.mulf %mul3A_3, %mul3A_16 : vector<1x128xf32>
    %sub3A_21 = arith.subf %get3A_19, %mul3A_20 : vector<1x128xf32>
    %get3A_22 = arith.constant 0 : index
    %get3A_23 = arith.constant 0 : index
    %get3A_24 = vector.load %arg1[%get3A_22, %get3A_23] : memref<2000x128xf32, #tpu.memory_space<vmem>>, vector<2000x128xf32>
    %mul3A_25 = vector.broadcast %mul3A_16 : vector<1x128xf32> to vector<2000x128xf32>
    %mul3A_26 = arith.mulf %get3A_24, %mul3A_25 : vector<2000x128xf32>
    %add3A_27 = vector.broadcast %sub3A_21 : vector<1x128xf32> to vector<2000x128xf32>
    %add3A_28 = arith.addf %mul3A_26, %add3A_27 : vector<2000x128xf32>
    %get3A_29 = arith.constant 0 : index
    %get3A_30 = arith.constant 0 : index
    %get3A_31 = vector.load %arg6[%get3A_29, %get3A_30] : memref<128x128xf32, #tpu.memory_space<vmem>>, vector<128x128xf32>
    %dot_general3A = arith.constant dense<0.000000e+00> : vector<2000x128xf32>
    %dot_general3A_32 = tpu.matmul %add3A_28, %get3A_31, %dot_general3A {dimension_numbers = #tpu.dot_dimension_numbers<[1], [0], [0], [1], [0, 0, 1, 1], [], []>, transpose_lhs_hint = false} : vector<2000x128xf32>, vector<128x128xf32>, vector<2000x128xf32> -> vector<2000x128xf32>
    %get3A_33 = arith.constant 0 : index
    %get3A_34 = arith.constant 0 : index
    %get3A_35 = vector.load %arg7[%get3A_33, %get3A_34] : memref<2000x1xf32, #tpu.memory_space<vmem>>, vector<2000x1xf32>
    %add3A_36 = arith.constant 1.000000e+00 : f32
    %add3A_37 = vector.broadcast %add3A_36 : f32 to vector<2000x1xf32>
    %add3A_38 = arith.addf %add3A_37, %get3A_35 : vector<2000x1xf32>
    %get3A_39 = arith.constant 0 : index
    %get3A_40 = arith.constant 0 : index
    %get3A_41 = vector.load %arg8[%get3A_39, %get3A_40] : memref<2000x1xf32, #tpu.memory_space<vmem>>, vector<2000x1xf32>
    %add3A_42 = arith.addf %add3A_38, %get3A_41 : vector<2000x1xf32>
    %rsqrt3A_43 = math.rsqrt %add3A_42 : vector<2000x1xf32>
    %mul3A_44 = vector.broadcast %rsqrt3A_43 : vector<2000x1xf32> to vector<2000x128xf32>
    %mul3A_45 = arith.mulf %mul3A_44, %dot_general3A_32 : vector<2000x128xf32>
    %swap3A = arith.constant 0 : index
    %swap3A_46 = arith.constant 0 : index
    %swap3A_47 = vector.load %arg9[%swap3A, %swap3A_46] : memref<2000x128xf32, #tpu.memory_space<vmem>>, vector<2000x128xf32>
    tpu.vector_store %arg9[%swap3A, %swap3A_46], %mul3A_45 {strides = array<i32>} : memref<2000x128xf32, #tpu.memory_space<vmem>>, vector<2000x128xf32>,
    return
  }
  func.func @transform_0(%arg0: i32) -> (i32, i32) {
    %c0_i32 = arith.constant 0 : i32
    %c0_i32_0 = arith.constant 0 : i32
    return %arg0, %c0_i32 : i32, i32
  }
  func.func @transform_1(%arg0: i32) -> (i32, i32) {
    %c0_i32 = arith.constant 0 : i32
    %c0_i32_0 = arith.constant 0 : i32
    %c0_i32_1 = arith.constant 0 : i32
    return %c0_i32, %c0_i32_0 : i32, i32
  }
  func.func @transform_2(%arg0: i32) -> (i32, i32) {
    %c0_i32 = arith.constant 0 : i32
    %c0_i32_0 = arith.constant 0 : i32
    %c0_i32_1 = arith.constant 0 : i32
    return %c0_i32, %c0_i32_0 : i32, i32
  }
  func.func @transform_3(%arg0: i32) -> (i32, i32) {
    %c0_i32 = arith.constant 0 : i32
    %c0_i32_0 = arith.constant 0 : i32
    %c0_i32_1 = arith.constant 0 : i32
    return %c0_i32, %c0_i32_0 : i32, i32
  }
  func.func @transform_4(%arg0: i32) -> (i32, i32) {
    %c0_i32 = arith.constant 0 : i32
    %c0_i32_0 = arith.constant 0 : i32
    %c0_i32_1 = arith.constant 0 : i32
    return %c0_i32, %c0_i32_0 : i32, i32
  }
  func.func @transform_5(%arg0: i32) -> (i32, i32) {
    %c0_i32 = arith.constant 0 : i32
    %c0_i32_0 = arith.constant 0 : i32
    %c0_i32_1 = arith.constant 0 : i32
    return %c0_i32, %c0_i32_0 : i32, i32
  }
  func.func @transform_6(%arg0: i32) -> (i32, i32) {
    %c0_i32 = arith.constant 0 : i32
    %c0_i32_0 = arith.constant 0 : i32
    return %arg0, %c0_i32 : i32, i32
  }
  func.func @transform_7(%arg0: i32) -> (i32, i32) {
    %c0_i32 = arith.constant 0 : i32
    %c0_i32_0 = arith.constant 0 : i32
    return %arg0, %c0_i32 : i32, i32
  }
  func.func @transform_8(%arg0: i32) -> (i32, i32) {
    %c0_i32 = arith.constant 0 : i32
    %c0_i32_0 = arith.constant 0 : i32
    return %arg0, %c0_i32 : i32, i32
  }
}

module attributes {stable_mosaic.version = 14 : i64} {
  func.func @_final_body(%arg0: i32, %arg1: memref<1x2000x128xf32, #tpu.memory_space<vmem>>, %arg2: memref<1x2000x128xf32, #tpu.memory_space<vmem>>, %arg3: memref<2000x128xf32, #tpu.memory_space<vmem>>, %arg4: memref<2000x1xf32, #tpu.memory_space<vmem>>, %arg5: memref<2000x1xf32, #tpu.memory_space<vmem>>, %arg6: memref<1x128xf32, #tpu.memory_space<vmem>>, %arg7: memref<128x16xf32, #tpu.memory_space<vmem>>, %arg8: memref<1x16xf32, #tpu.memory_space<vmem>>, %arg9: memref<2000x16xf32, #tpu.memory_space<vmem>>) attributes {dimension_semantics = [#tpu.dimension_semantics<arbitrary>], iteration_bounds = array<i64: 5>, scalar_prefetch = 0 : i64, scratch_operands = 0 : i64, tpu.core_type = #tpu.core_type<tc>, window_params = [{transform_indices = @transform_0, window_bounds = array<i64: 1, 2000, 128>}, {transform_indices = @transform_1, window_bounds = array<i64: 1, 2000, 128>}, {transform_indices = @transform_2, window_bounds = array<i64: 2000, 128>}, {transform_indices = @transform_3, window_bounds = array<i64: 2000, 1>}, {transform_indices = @transform_4, window_bounds = array<i64: 2000, 1>}, {pipeline_mode = #tpu.pipeline_mode<synchronous>, transform_indices = @transform_5, window_bounds = array<i64: 1, 128>}, {pipeline_mode = #tpu.pipeline_mode<synchronous>, transform_indices = @transform_6, window_bounds = array<i64: 128, 16>}, {pipeline_mode = #tpu.pipeline_mode<synchronous>, transform_indices = @transform_7, window_bounds = array<i64: 1, 16>}, {transform_indices = @transform_8, window_bounds = array<i64: 2000, 16>}]} {
    %get3A = arith.constant 0 : index
    %get3A_0 = arith.constant 0 : index
    %get3A_1 = vector.load %arg4[%get3A, %get3A_0] : memref<2000x1xf32, #tpu.memory_space<vmem>>, vector<2000x1xf32>
    %add3A = arith.constant 1.000000e+00 : f32
    %add3A_2 = vector.broadcast %add3A : f32 to vector<2000x1xf32>
    %add3A_3 = arith.addf %add3A_2, %get3A_1 : vector<2000x1xf32>
    %get3A_4 = arith.constant 0 : index
    %get3A_5 = arith.constant 0 : index
    %get3A_6 = vector.load %arg5[%get3A_4, %get3A_5] : memref<2000x1xf32, #tpu.memory_space<vmem>>, vector<2000x1xf32>
    %add3A_7 = arith.addf %add3A_3, %get3A_6 : vector<2000x1xf32>
    %rsqrt3A = math.rsqrt %add3A_7 : vector<2000x1xf32>
    %get3A_8 = arith.constant 0 : index
    %get3A_9 = arith.constant 0 : index
    %get3A_10 = arith.constant 0 : index
    %get3A_11 = vector.load %arg1[%get3A_8, %get3A_9, %get3A_10] : memref<1x2000x128xf32, #tpu.memory_space<vmem>>, vector<1x2000x128xf32>
    %squeeze3A = vector.shape_cast %get3A_11 : vector<1x2000x128xf32> to vector<2000x128xf32>
    %get3A_12 = arith.constant 0 : index
    %get3A_13 = arith.constant 0 : index
    %get3A_14 = arith.constant 0 : index
    %get3A_15 = vector.load %arg2[%get3A_12, %get3A_13, %get3A_14] : memref<1x2000x128xf32, #tpu.memory_space<vmem>>, vector<1x2000x128xf32>
    %squeeze3A_16 = vector.shape_cast %get3A_15 : vector<1x2000x128xf32> to vector<2000x128xf32>
    %add3A_17 = arith.addf %squeeze3A, %squeeze3A_16 : vector<2000x128xf32>
    %get3A_18 = arith.constant 0 : index
    %get3A_19 = arith.constant 0 : index
    %get3A_20 = vector.load %arg3[%get3A_18, %get3A_19] : memref<2000x128xf32, #tpu.memory_space<vmem>>, vector<2000x128xf32>
    %add3A_21 = arith.addf %add3A_17, %get3A_20 : vector<2000x128xf32>
    %mul3A = vector.broadcast %rsqrt3A : vector<2000x1xf32> to vector<2000x128xf32>
    %mul3A_22 = arith.mulf %mul3A, %add3A_21 : vector<2000x128xf32>
    %get3A_23 = arith.constant 0 : index
    %get3A_24 = arith.constant 0 : index
    %get3A_25 = vector.load %arg6[%get3A_23, %get3A_24] : memref<1x128xf32, #tpu.memory_space<vmem>>, vector<1x128xf32>
    %add3A_26 = vector.broadcast %get3A_25 : vector<1x128xf32> to vector<2000x128xf32>
    %add3A_27 = arith.addf %mul3A_22, %add3A_26 : vector<2000x128xf32>
    %tanh3A = math.tanh %add3A_27 : vector<2000x128xf32>
    %get3A_28 = arith.constant 0 : index
    %get3A_29 = arith.constant 0 : index
    %get3A_30 = vector.load %arg7[%get3A_28, %get3A_29] : memref<128x16xf32, #tpu.memory_space<vmem>>, vector<128x16xf32>
    %dot_general3A = arith.constant dense<0.000000e+00> : vector<2000x16xf32>
    %dot_general3A_31 = tpu.matmul %tanh3A, %get3A_30, %dot_general3A {dimension_numbers = #tpu.dot_dimension_numbers<[1], [0], [0], [1], [0, 0, 1, 1], [], []>, transpose_lhs_hint = false} : vector<2000x128xf32>, vector<128x16xf32>, vector<2000x16xf32> -> vector<2000x16xf32>
    %get3A_32 = arith.constant 0 : index
    %get3A_33 = arith.constant 0 : index
    %get3A_34 = vector.load %arg8[%get3A_32, %get3A_33] : memref<1x16xf32, #tpu.memory_space<vmem>>, vector<1x16xf32>
    %add3A_35 = vector.broadcast %get3A_34 : vector<1x16xf32> to vector<2000x16xf32>
    %add3A_36 = arith.addf %dot_general3A_31, %add3A_35 : vector<2000x16xf32>
    %reduce_max3A = arith.constant dense<0xFF800000> : vector<2000xf32>
    %reduce_max3A_37 = vector.multi_reduction <maximumf>, %add3A_36, %reduce_max3A [1] : vector<2000x16xf32> to vector<2000xf32>
    %broadcast_in_dim3A = vector.shape_cast %reduce_max3A_37 : vector<2000xf32> to vector<2000x1xf32>
    %sub3A = vector.broadcast %broadcast_in_dim3A : vector<2000x1xf32> to vector<2000x16xf32>
    %sub3A_38 = arith.subf %add3A_36, %sub3A : vector<2000x16xf32>
    %exp3A = math.exp %sub3A_38 : vector<2000x16xf32>
    %reduce_sum3A = arith.constant dense<0.000000e+00> : vector<2000xf32>
    %reduce_sum3A_39 = vector.multi_reduction <add>, %exp3A, %reduce_sum3A [1] : vector<2000x16xf32> to vector<2000xf32>
    %broadcast_in_dim3A_40 = vector.shape_cast %reduce_sum3A_39 : vector<2000xf32> to vector<2000x1xf32>
    %log3A = math.log %broadcast_in_dim3A_40 : vector<2000x1xf32>
    %sub3A_41 = vector.broadcast %log3A : vector<2000x1xf32> to vector<2000x16xf32>
    %sub3A_42 = arith.subf %sub3A_38, %sub3A_41 : vector<2000x16xf32>
    %swap3A = arith.constant 0 : index
    %swap3A_43 = arith.constant 0 : index
    %swap3A_44 = vector.load %arg9[%swap3A, %swap3A_43] : memref<2000x16xf32, #tpu.memory_space<vmem>>, vector<2000x16xf32>
    tpu.vector_store %arg9[%swap3A, %swap3A_43], %sub3A_42 {strides = array<i32>} : memref<2000x16xf32, #tpu.memory_space<vmem>>, vector<2000x16xf32>,
    return
  }
  func.func @transform_0(%arg0: i32) -> (i32, i32, i32) {
    %c0_i32 = arith.constant 0 : i32
    %c0_i32_0 = arith.constant 0 : i32
    %c0_i32_1 = arith.constant 0 : i32
    return %c0_i32, %arg0, %c0_i32_0 : i32, i32, i32
  }
  func.func @transform_1(%arg0: i32) -> (i32, i32, i32) {
    %c1_i32 = arith.constant 1 : i32
    %c0_i32 = arith.constant 0 : i32
    %c0_i32_0 = arith.constant 0 : i32
    return %c1_i32, %arg0, %c0_i32 : i32, i32, i32
  }
  func.func @transform_2(%arg0: i32) -> (i32, i32) {
    %c0_i32 = arith.constant 0 : i32
    %c0_i32_0 = arith.constant 0 : i32
    return %arg0, %c0_i32 : i32, i32
  }
  func.func @transform_3(%arg0: i32) -> (i32, i32) {
    %c0_i32 = arith.constant 0 : i32
    %c0_i32_0 = arith.constant 0 : i32
    return %arg0, %c0_i32 : i32, i32
  }
  func.func @transform_4(%arg0: i32) -> (i32, i32) {
    %c0_i32 = arith.constant 0 : i32
    %c0_i32_0 = arith.constant 0 : i32
    return %arg0, %c0_i32 : i32, i32
  }
  func.func @transform_5(%arg0: i32) -> (i32, i32) {
    %c0_i32 = arith.constant 0 : i32
    %c0_i32_0 = arith.constant 0 : i32
    %c0_i32_1 = arith.constant 0 : i32
    return %c0_i32, %c0_i32_0 : i32, i32
  }
  func.func @transform_6(%arg0: i32) -> (i32, i32) {
    %c0_i32 = arith.constant 0 : i32
    %c0_i32_0 = arith.constant 0 : i32
    %c0_i32_1 = arith.constant 0 : i32
    return %c0_i32, %c0_i32_0 : i32, i32
  }
  func.func @transform_7(%arg0: i32) -> (i32, i32) {
    %c0_i32 = arith.constant 0 : i32
    %c0_i32_0 = arith.constant 0 : i32
    %c0_i32_1 = arith.constant 0 : i32
    return %c0_i32, %c0_i32_0 : i32, i32
  }
  func.func @transform_8(%arg0: i32) -> (i32, i32) {
    %c0_i32 = arith.constant 0 : i32
    %c0_i32_0 = arith.constant 0 : i32
    return %arg0, %c0_i32 : i32, i32
  }
}

</mosaic_0001>

<sc_bundles>
// kernel: kernel.11.cloned.1.call-start
scs
__scs_entry_jumppad:
0x0: {  	(pc) =	sbr.rel $0x88, $3  }
0x1: {  	(tag) =	ssettag $0x0;
	lr =	simm.s32 $0x1  }
0x2: {  	[smem:$0x3F8E] =	sst lr;
	_ =	strace $0xD0000000  }
0x3: {  	_ = 	snop  }
0x4: {  	_ = 	snop  }
0x5: {  	_ = 	snop  }
0x6: {  	_ = 	snop  }
0x7: {  	_ = 	snop  }
__scs_overlays_trampoline_lowered:
0x8: {  	[smem:$0x3F9D] =	sst s0  }
0x9: {  	[smem:$0x3F9E] =	sst s1  }
0xa: {  	[smem:$0x3F9F] =	sst s2  }
0xb: {  	[smem:$0x3FA0] =	sst s3  }
0xc: {  	[smem:$0x3FA1] =	sst s4  }
0xd: {  	[smem:$0x3FA2] =	sst s5  }
0xe: {  	[smem:$0x3FA3] =	sst s6  }
0xf: {  	[smem:$0x3FA4] =	sst s7  }
0x10: {  	[smem:$0x3FA5] =	sst s8  }
0x11: {  	[smem:$0x3FA6] =	sst s9;
	s0 =	simm.s32 @!p0 $0x0  }
0x12: {  	s1 =	sld [smem:$0x3F8C];
	s0 =	simm.s32 @p0 $0x1  }
0x13: {  	[smem:$0x3FA7] =	sst s0;
	s0 =	simm.s32 @!p1 $0x0  }
0x14: {  	s2 =	sld [smem:$0x3F8B];
	s0 =	simm.s32 @p1 $0x1  }
0x15: {  	[smem:$0x3FA8] =	sst s0;
	s0 =	simm.s32 @!p2 $0x0  }
0x16: {  	s3 =	sld [smem:$0x3FDB];
	s0 =	simm.s32 @p2 $0x1  }
0x17: {  	s4 =	simm.s32 $0x1BF5;
	[smem:$0x3FAA] =	sst s0  }
0x18: {  	s0 =	sld [smem:$0x3F8D];
	_ =	swait.ge [sflag:s4], $0x0  }
0x19: {  	s7 =	sld [smem:$0x3F8E]  }
0x1a: {  	s8 =	sadd.s32 $0xFFFFE003, lr  }
0x1b: {  	s9 =	sadd.s32 $0xFFFFFEF7, lr;
	s5 =	simm.s32 $0xFFFFFFFF;
	p2 =	slt.u32 s8, $0xFFFFF086  }
0x1c: {  	p1 =	slt.u32 s9, $0xF7A;
	s5 =	simm.s32 @!p2 $0x0  }
0x1d: {  	s5 =	simm.s32 @p1 $0x1;
	p0 =	seq.s32 s7, s2  }
0x1e: {  	s7 =	smul.u32 @!p0 $0xF7A, s2;
	p2 =	seq.s32 @!p0 s5, $0x0  }
0x1f: {  	s9 =	smul.u32 $0xF7A, s1;
	s8 =	simm.s32 @!p0 $0x1BF5;
	p2 =	por !p2, p0  }
0x20: {  	[sflag:s8] =	ssyncset.s32 @!p0 $0xFFFFF086;
	s6 =	sadd.s32 @!p0 s3, s7;
	s7 =	simm.s32 @!p0 $0x108  }
0x21: {  	s3 =	sadd.s32 s3, s9;
	s6 =	sadd.s32 @!p0 $0x88, s6;
	s7 =	simm.s32 @p2 $0x1082  }
0x22: {  	[simem:s7], [sflag:s8] =	dma.local @!p0 [hbm:s6], $0xF7A  }
0x23: {  	s9 =	sor.u32 $0xD0000000, s2;
	s6 =	simm.s32 $0x108;
	_ =	swait.ge @!p0 [sflag:s8], $0x0  }
0x24: {  	s3 =	sadd.s32 $0x88, s3;
	s6 =	simm.s32 @!p1 $0x1082;
	[sflag:s4] =	ssyncset.s32 $0xFFFFF086  }
0x25: {  	[simem:s6], [sflag:s4] =	dma.local [hbm:s3], $0xF7A  }
0x26: {  	[smem:$0x3F8E] =	sst s1;
	(tag) =	ssettag s2;
	_ =	strace s9  }
0x27: {  	s1 =	sld [smem:$0x3F9E]  }
0x28: {  	s2 =	sld [smem:$0x3F9F]  }
0x29: {  	s4 =	sld [smem:$0x3FA1]  }
0x2a: {  	p0 =	seq.s32 s5, $0x0;
	s5 =	sld [smem:$0x3FA2]  }
0x2b: {  	s6 =	sld [smem:$0x3FA3]  }
0x2c: {  	s7 =	sld [smem:$0x3FA4]  }
0x2d: {  	s3 =	simm.s32 $0x108;
	s8 =	sld [smem:$0x3FA5]  }
0x2e: {  	s3 =	simm.s32 @!p0 $0x1082;
	s9 =	sld [smem:$0x3FA6]  }
0x2f: {  	lr =	sadd.s32 s0, s3;
	s0 =	sld [smem:$0x3F9D]  }
0x30: {  	s3 =	sld [smem:$0x3FA0]  }
0x31: {  	[smem:$0x3FA9] =	sst s10  }
0x32: {  	s10 =	sld [smem:$0x3FA7];
	_ =	sdelay $0x3  }
0x33: {  	p0 =	seq.s32 s10, $0x1;
	s10 =	sld [smem:$0x3FA9];
	_ =	sdelay $0x3  }
0x34: {  	[smem:$0x3FA9] =	sst s10  }
0x35: {  	s10 =	sld [smem:$0x3FA8];
	_ =	sdelay $0x3  }
0x36: {  	p1 =	seq.s32 s10, $0x1;
	s10 =	sld [smem:$0x3FA9];
	_ =	sdelay $0x3  }
0x37: {  	[smem:$0x3FA9] =	sst s10  }
0x38: {  	s10 =	sld [smem:$0x3FAA]  }
0x39: {  	_ = 	snop;
	(pc) =	sbr.ind lr, $3  }
0x3a: {  	_ = 	snop  }
0x3b: {  	_ = 	snop  }
0x3c: {  	p2 =	seq.s32 s10, $0x1;
	s10 =	sld [smem:$0x3FA9]  }
0x3d: {  	_ =	shalt  }
0x3e: {  	_ =	shalt  }
0x3f: {  	_ =	shalt  }
0x40: {  	_ =	shalt  }
0x41: {  	_ =	shalt  }
0x42: {  	_ =	shalt  }
0x43: {  	_ =	shalt  }
0x44: {  	_ =	shalt  }
0x45: {  	_ =	shalt  }
0x46: {  	_ =	shalt  }
0x47: {  	_ =	shalt  }
0x48: {  	_ =	shalt  }
0x49: {  	_ =	shalt  }
0x4a: {  	_ =	shalt  }
0x4b: {  	_ =	shalt  }
0x4c: {  	_ =	shalt  }
0x4d: {  	_ =	shalt  }
0x4e: {  	_ =	shalt  }
0x4f: {  	_ =	shalt  }
0x50: {  	_ =	shalt  }
0x51: {  	_ =	shalt  }
0x52: {  	_ =	shalt  }
0x53: {  	_ =	shalt  }
0x54: {  	_ =	shalt  }
0x55: {  	_ =	shalt  }
0x56: {  	_ =	shalt  }
0x57: {  	_ =	shalt  }
0x58: {  	_ =	shalt  }
0x59: {  	_ =	shalt  }
0x5a: {  	_ =	shalt  }
0x5b: {  	_ =	shalt  }
0x5c: {  	_ =	shalt  }
0x5d: {  	_ =	shalt  }
0x5e: {  	_ =	shalt  }
0x5f: {  	_ =	shalt  }
0x60: {  	_ =	shalt  }
0x61: {  	_ =	shalt  }
0x62: {  	_ =	shalt  }
0x63: {  	_ =	shalt  }
0x64: {  	_ =	shalt  }
0x65: {  	_ =	shalt  }
0x66: {  	_ =	shalt  }
0x67: {  	_ =	shalt  }
0x68: {  	_ =	shalt  }
0x69: {  	_ =	shalt  }
0x6a: {  	_ =	shalt  }
0x6b: {  	_ =	shalt  }
0x6c: {  	_ =	shalt  }
0x6d: {  	_ =	shalt  }
0x6e: {  	_ =	shalt  }
0x6f: {  	_ =	shalt  }
0x70: {  	_ =	shalt  }
0x71: {  	_ =	shalt  }
0x72: {  	_ =	shalt  }
0x73: {  	_ =	shalt  }
0x74: {  	_ =	shalt  }
0x75: {  	_ =	shalt  }
0x76: {  	_ =	shalt  }
0x77: {  	_ =	shalt  }
0x78: {  	_ =	shalt  }
0x79: {  	_ =	shalt  }
0x7a: {  	_ =	shalt  }
0x7b: {  	_ =	shalt  }
0x7c: {  	_ =	shalt  }
0x7d: {  	_ =	shalt  }
0x7e: {  	_ =	shalt  }
0x7f: {  	_ =	shalt  }
0x80: {  	_ =	shalt  }
0x81: {  	_ =	shalt  }
0x82: {  	_ =	shalt  }
0x83: {  	_ =	shalt  }
0x84: {  	_ =	shalt  }
0x85: {  	_ =	shalt  }
0x86: {  	_ =	shalt  }
0x87: {  	_ =	shalt  }
.Lfunc_end0:
.L_simem_size_0:
called_computation.1_lowered:
.L_overlay_start_0:
0x88: {  	s2 =	sld [smem:$0x3FD9]  }
0x89: {  	s3 =	sld [smem:$0x3FFE];
	_ =	sdelay $0x1  }
0x8a: {  	s1 =	srdreg.scid  }
0x8b: {  	s0 =	sand.u32 $0x1, s1  }
0x8c: {  	s17 =	sshll.u32 s0, $0xA;
	s2 =	sadd.s32 s3, s2  }
0x8d: {  	s2 =	sadd.s32 s2, s17  }
0x8e: {  	[smem:$0x3FB5] =	sst s2  }
0x8f: {  	_ = 	snop  }
0x90: {  	s2 =	sld [smem:$0x3FD0];
	(tm) =	ssettm $0x1  }
0x91: {  	s18 =	sld [smem:$0x3FFB];
	_ =	sdelay $0x3  }
0x92: {  	_ =	strace s18  }
0x93: {  	s3 =	sld [smem:$0x3FFC];
	_ =	sdelay $0x3  }
0x94: {  	_ =	strace s3  }
0x95: {  	s3 =	sld [smem:$0x3FFD];
	_ =	sdelay $0x3  }
0x96: {  	_ =	strace s3  }
0x97: {  	_ =	strace $0x8FFFFFFF  }
0x98: {  	s19 =	sld [smem:$0x3FDB];
	_ =	sdelay $0x1  }
0x99: {  	s4 =	simm.s32 $_scs_section_size  }
0x9a: {  	s5 =	simm.s32 $_size__tile_overlayer_lowered;
	s6 =	simm.s32 $_tile_overlayer_lowered  }
0x9b: {  	s22 =	simm.s32 $0x1BFF;
	s21 =	sshll.u32 s6, $0x1;
	s3 =	sadd.s32 s4, s19  }
0x9c: {  	s7 =	simm.s32 $0x0;
	s20 =	sshll.u32 s5, $0x1;
	s5 =	sadd.s32 s21, s3  }
0x9d: {  	[timem:s7], [sflag:s22] =	dma.local [hbm:s5], s20  }
0x9e: {  	_ =	swait.ge [sflag:s22], s20  }
0x9f: {  	s4 =	ssub.s32 $0x0, s20;
	[sflag:s22] =	ssyncset.done $0x0  }
0xa0: {  	[sflag:s22] =	ssyncadd.s32 s4;
	_ =	sdelay $0x1  }
0xa1: {  	s23 =	simm.s32 $0x1B8B  }
0xa2: {  	_ =	swait.ge [sflag:s23], $0x1  }
0xa3: {  	[sflag:s23] =	ssyncset.done $0x0  }
0xa4: {  	s25 =	simm.s32 $0x1B8E;
	s24 =	sld [smem:$0x3FFE];
	[sflag:s23] =	ssyncadd.s32 $0xFFFFFFFF  }
0xa5: {  	s26 =	simm.s32 $execute0_lowered;
	[smem:$0x3FD2] =	sst s25  }
0xa6: {  	s5 =	sshll.u32 s26, $0x1;
	_ =	strace $0x80000049;
	[dreg:$0x1] =	wrdreg $0xFFFFFFFF  }
0xa7: {  	s28 =	simm.s32 $_size_execute0_lowered;
	s3 =	sadd.s32 s3, s5;
	[dreg:$0x0] =	wrdreg $0x0  }
0xa8: {  	s5 =	sshll.u32 s28, $0x1;
	[dreg:$0x2] =	wrdreg s3  }
0xa9: {  	[dreg:$0x3] =	wrdreg s5  }
0xaa: {  	[dreg:$0x4] =	wrdreg $0xC0  }
0xab: {  	_ =	task [dreg:s7], $0x5FFFF  }
0xac: {  	[dreg:$0x1] =	wrdreg $0xFFFFFFFF  }
0xad: {  	[dreg:$0x0] =	wrdreg $0x60  }
0xae: {  	[dreg:$0x2] =	wrdreg s24  }
0xaf: {  	[dreg:$0x3] =	wrdreg s2  }
0xb0: {  	[dreg:$0x4] =	wrdreg $0xA8000  }
0xb1: {  	[dreg:$0x5] =	wrdreg $0x9  }
0xb2: {  	_ =	task.clear_ibuf [dreg:s7], $0x6FFFF;
	_ =	strace $0x90000049  }
0xb3: {  	s29 =	simm.s32 $0x9;
	_ =	strace $0x8000004B  }
0xb4: {  	_ =	swait.ge [sflag:s29], $0x1  }
0xb5: {  	[sflag:s29] =	ssyncadd.s32 $0xFFFFFFFF  }
0xb6: {  	_ =	strace $0x9000004B  }
0xb7: {  	_ =	sfence  }
0xb8: {  	s30 =	sld [smem:$0x0];
	_ =	sdelay $0x2  }
0xb9: {  	s31 =	sshll.u32 s1, $0xD;
	s1 =	sshrl.u32 s1, $0x2  }
0xba: {  	s3 =	sand.u32 $0x4000, s31;
	s1 =	sadd.s32 s1, s30  }
0xbb: {  	s0 =	sor.u32 s3, s0;
	s1 =	sshll.u32 s1, $0x11  }
0xbc: {  	s0 =	sor.u32 s1, s0  }
0xbd: {  	s0 =	sadd.s32 $0x8F2B, s0  }
0xbe: {  	[sflag:s0] =	ssyncadd.remote.s32 $0x1  }
0xbf: {  	_ =	sfence.sel $0xFFFF  }
0xc0: {  	[dreg:$0x0] =	wrdreg $0xFFFFFFFF;
	(pc) =	sbr.abs _section_cstart, $3  }
0xc1: {  	[dreg:$0x1] =	wrdreg $0xFFFFFFFF  }
0xc2: {  	_ =	task.clear_ibuf [dreg:s7], $0x2FFFF;
	_ =	strace $0x9FFFFFFF  }
0xc3: {  	(tm) =	ssettm $0x7FFFFFFF  }
tec
execute0_lowered:
.L_overlay_start_1:
0x0: {  	(tag) =	ssettag $0x1  }
0x1: {  	s6 =	rddreg [dreg:$0x0]  }
0x2: {  	s1 =	rddreg [dreg:$0x1]  }
0x3: {  	s2 =	rddreg [dreg:$0x2]  }
0x4: {  	s0 =	rddreg [dreg:$0x3]  }
0x5: {  	s3 =	simm.s32 $0x0;
	s5 =	srdreg.scid;
	s16 =	simm.s32 $0x2800  }
0x6: {  	s17 =	simm.s32 $0x6800;
	s18 =	simm.s32 $0x1;
	s19 =	simm.s32 $0x2  }
0x7: {  	s20 =	simm.s32 $0x1380;
	s21 =	simm.s32 $0x2700;
	s22 =	simm.s32 $0x2780  }
0x8: {  	[smem:$0x7FF] =	sst s3;
	s4 =	sadd.s32 $0x18000, s6;
	s7 =	sand.u32 $0x1, s5  }
0x9: {  	s9 =	sadd.s32 $0xE000, s6;
	s10 =	sadd.s32 $0x4000, s6;
	s5 =	stileid.u32  }
0xa: {  	_ =	strace $0x8000004A;
	s8 =	smul.u32 $0x27800, s7;
	s11 =	ssub.s32 $0x2, s7  }
0xb: {  	s7 =	sshll.u32 s7, $0x4;
	s13 =	smul.u32 $0x4F000, s5;
	s29 =	sshll.u32 s5, $0x6  }
0xc: {  	s24 =	smul.u32 $0x2780, s5;
	s12 =	sshrl.u32 s11, $0x1;
	s7 =	sor.u32 s5, s7  }
0xd: {  	s14 =	sadd.s32 s8, s6;
	s11 =	ssub.s32 s11, s12;
	s26 =	smul.u32 $0x2800, s7  }
0xe: {  	s28 =	sshrl.u32 s13, $0x2;
	s30 =	smul.u32 $0x500, s7;
	s6 =	sor.u32 $0x1C03, s29  }
0xf: {  	s13 =	simm.s32 $0x3;
	s15 =	sadd.s32 s28, s2;
	s23 =	sadd.s32 $0x3F200, s14  }
0x10: {  	s11 =	smax.u32 s11, $0x1;
	s14 =	simm.s32 $0x1400;
	s31 =	sshrl.u32 s26, $0x3  }
0x11: {  	s7 =	sadd.s32 s9, s30;
	s8 =	sadd.s32 s10, s30;
	s12 =	sadd.s32 $0x280, s31  }
0x12: {  	s23 =	sadd.s32 s24, s23;
	s24 =	simm.s32 $0x0;
	s9 =	sadd.s32 s9, s12  }
0x13: {  	s10 =	sadd.s32 s10, s12;
	s12 =	sshrl.u32 s15, $0x3;
	s15 =	simm.s32 $0x80  }
.LBB2_1:
0x14: {  	[spmem:s12], [sflag:s6] =	dma.local [hbm:s1], $0x2780  }
0x15: {  	_ =	swait.ge [sflag:s13], $0x2780  }
0x16: {  	[sflag:s13] =	ssyncset.done $0x0  }
0x17: {  	[sflag:s13] =	ssyncadd.s32 $0xFFFFD880  }
0x18: {  	[bflag:$0x0] =	sbarrier.arrive $0xFFFF  }
0x19: {  	[tilespmem:s3], [sflag:$0x3] =	stream.linear.gather [hbm4b:s7+s3], $0x1400, $0x38;
	[tilespmem:$0x1E400] =	vst v63  }
0x1a: {  	_ =	swait.ge [sflag:s13], $0x1400  }
0x1b: {  	[sflag:s13] =	ssyncset.done $0x0  }
0x1c: {  	[sflag:s13] =	ssyncadd.s32 $0xFFFFEC00  }
0x1d: {  	[tilespmem:s14], [sflag:$0x3] =	stream.linear.gather [hbm4b:s8+s3], $0x1400, $0x38;
	[tilespmem:$0x1E400] =	vst v63  }
0x1e: {  	_ =	swait.ge [sflag:s13], $0x1400  }
0x1f: {  	[sflag:s13] =	ssyncset.done $0x0  }
0x20: {  	[sflag:s13] =	ssyncadd.s32 $0xFFFFEC00  }
0x21: {  	[tilespmem:s16], [sflag:$0x1] =	stream.indirect.gather [hbm4b:s4+s15], $0x80, s3, s15, $0xb8;
	[tilespmem:$0x1E400] =	vst v63  }
0x22: {  	s25 =	simm.s32 $0x80  }
0x23: {  	[tilespmem:s17], [sflag:$0x2] =	stream.indirect.gather [hbm4b:s4+s15], $0x80, s25, s15, $0xb8;
	[tilespmem:$0x1E400] =	vst v63  }
0x24: {  	_ =	swait.ge [sflag:s18], $0x4000  }
0x25: {  	[sflag:s18] =	ssyncset.done $0x0  }
0x26: {  	s29 =	simm.s32 $0x1400;
	[sflag:s18] =	ssyncadd.s32 $0xFFFFC000  }
0x27: {  	[spmem:s2] =	stream.indirect.scatter.add.f32 [tilespmem:s16], [sflag:$0x3], $0x80, s29, s15, $0xb8;
	[tilespmem:$0x1E400] =	vst v63  }
0x28: {  	_ =	swait.ge [sflag:s13], $0x4000  }
0x29: {  	[sflag:s13] =	ssyncset.done $0x0  }
0x2a: {  	s30 =	simm.s32 $0x100;
	[sflag:s13] =	ssyncadd.s32 $0xFFFFC000  }
0x2b: {  	[tilespmem:s16], [sflag:$0x1] =	stream.indirect.gather [hbm4b:s4+s15], $0x80, s30, s15, $0xb8;
	[tilespmem:$0x1E400] =	vst v63  }
0x2c: {  	_ =	swait.ge [sflag:s19], $0x4000  }
0x2d: {  	[sflag:s19] =	ssyncset.done $0x0  }
0x2e: {  	s31 =	simm.s32 $0x1480;
	[sflag:s19] =	ssyncadd.s32 $0xFFFFC000  }
0x2f: {  	[spmem:s2] =	stream.indirect.scatter.add.f32 [tilespmem:s17], [sflag:$0x3], $0x80, s31, s15, $0xb8;
	[tilespmem:$0x1E400] =	vst v63  }
0x30: {  	_ =	swait.ge [sflag:s13], $0x4000  }
0x31: {  	s26 =	simm.s32 $0x800;
	s25 =	simm.s32 $0x100;
	[sflag:s13] =	ssyncset.done $0x0  }
.LBB2_2:
0x32: {  	s28 =	sadd.s32 $0x80, s25  }
0x33: {  	[sflag:s13] =	ssyncadd.s32 $0xFFFFC000;
	s29 =	smov.u32 s26;
	s30 =	sadd.s32 $0x400, s26  }
0x34: {  	[tilespmem:s17], [sflag:$0x2] =	stream.indirect.gather [hbm4b:s4+s15], $0x80, s28, s15, $0xb8;
	[tilespmem:$0x1E400] =	vst v63  }
0x35: {  	p0 =	sne.s32 s26, $0x4800;
	_ =	swait.ge [sflag:s18], $0x4000  }
0x36: {  	[sflag:s18] =	ssyncset.done $0x0  }
0x37: {  	s26 =	sadd.s32 $0x1400, s25;
	[sflag:s18] =	ssyncadd.s32 $0xFFFFC000  }
0x38: {  	[spmem:s2] =	stream.indirect.scatter.add.f32 [tilespmem:s16], [sflag:$0x3], $0x80, s26, s15, $0xb8;
	[tilespmem:$0x1E400] =	vst v63  }
0x39: {  	_ =	swait.ge [sflag:s13], $0x4000  }
0x3a: {  	[sflag:s13] =	ssyncset.done $0x0  }
0x3b: {  	s26 =	sadd.s32 $0x100, s25;
	[sflag:s13] =	ssyncadd.s32 $0xFFFFC000  }
0x3c: {  	[tilespmem:s16], [sflag:$0x1] =	stream.indirect.gather [hbm4b:s4+s15], $0x80, s26, s15, $0xb8;
	[tilespmem:$0x1E400] =	vst v63  }
0x3d: {  	_ =	swait.ge [sflag:s19], $0x4000  }
.Ltmp0:
0x3e: {  	[sflag:s19] =	ssyncset.done $0x0;
	(pc) =	sbr.rel @p0 .LBB2_2-.Ltmp0, $4  }
0x3f: {  	s25 =	sadd.s32 $0x1480, s25;
	[sflag:s19] =	ssyncadd.s32 $0xFFFFC000  }
0x40: {  	[spmem:s2] =	stream.indirect.scatter.add.f32 [tilespmem:s17], [sflag:$0x3], $0x80, s25, s15, $0xb8;
	[tilespmem:$0x1E400] =	vst v63  }
0x41: {  	_ =	swait.ge [sflag:s13], $0x4000  }
0x42: {  	s26 =	smov.u32 s30;
	s25 =	sshra.s32 s29, $0x2;
	[sflag:s13] =	ssyncset.done $0x0  }
0x43: {  	s26 =	sadd.s32 $0x80, s25;
	[sflag:s13] =	ssyncadd.s32 $0xFFFFC000  }
0x44: {  	[tilespmem:s17], [sflag:$0x2] =	stream.indirect.gather [hbm4b:s4+s15], $0x80, s26, s15, $0xb8;
	[tilespmem:$0x1E400] =	vst v63  }
0x45: {  	_ =	swait.ge [sflag:s18], $0x4000  }
0x46: {  	[sflag:s18] =	ssyncset.done $0x0  }
0x47: {  	s29 =	sadd.s32 $0x1400, s25;
	[sflag:s18] =	ssyncadd.s32 $0xFFFFC000  }
0x48: {  	[spmem:s2] =	stream.indirect.scatter.add.f32 [tilespmem:s16], [sflag:$0x3], $0x80, s29, s15, $0xb8;
	[tilespmem:$0x1E400] =	vst v63  }
0x49: {  	_ =	swait.ge [sflag:s13], $0x4000  }
0x4a: {  	[sflag:s13] =	ssyncset.done $0x0  }
0x4b: {  	s30 =	sadd.s32 $0x100, s25;
	[sflag:s13] =	ssyncadd.s32 $0xFFFFC000  }
0x4c: {  	[tilespmem:s16], [sflag:$0x1] =	stream.indirect.gather [hbm4b:s4+s15], $0x80, s30, s15, $0xb8;
	[tilespmem:$0x1E400] =	vst v63  }
0x4d: {  	_ =	swait.ge [sflag:s19], $0x4000  }
0x4e: {  	[sflag:s19] =	ssyncset.done $0x0  }
0x4f: {  	s31 =	sadd.s32 $0x1480, s25;
	[sflag:s19] =	ssyncadd.s32 $0xFFFFC000  }
0x50: {  	[spmem:s2] =	stream.indirect.scatter.add.f32 [tilespmem:s17], [sflag:$0x3], $0x80, s31, s15, $0xb8;
	[tilespmem:$0x1E400] =	vst v63  }
0x51: {  	_ =	swait.ge [sflag:s13], $0x4000  }
0x52: {  	[sflag:s13] =	ssyncset.done $0x0  }
0x53: {  	[sflag:s13] =	ssyncadd.s32 $0xFFFFC000  }
0x54: {  	[tilespmem:s17], [sflag:$0x2] =	stream.indirect.gather [hbm4b:s4+s15], $0x80, s20, s15, $0xb8;
	[tilespmem:$0x1E400] =	vst v63  }
0x55: {  	_ =	swait.ge [sflag:s18], $0x4000  }
0x56: {  	[sflag:s18] =	ssyncset.done $0x0  }
0x57: {  	[sflag:s18] =	ssyncadd.s32 $0xFFFFC000  }
0x58: {  	[spmem:s2] =	stream.indirect.scatter.add.f32 [tilespmem:s16], [sflag:$0x3], $0x80, s21, s15, $0xb8;
	[tilespmem:$0x1E400] =	vst v63  }
0x59: {  	_ =	swait.ge [sflag:s13], $0x4000  }
0x5a: {  	[sflag:s13] =	ssyncset.done $0x0  }
0x5b: {  	[sflag:s13] =	ssyncadd.s32 $0xFFFFC000  }
0x5c: {  	_ =	swait.ge [sflag:s19], $0x4000  }
0x5d: {  	[sflag:s19] =	ssyncset.done $0x0  }
0x5e: {  	[sflag:s19] =	ssyncadd.s32 $0xFFFFC000  }
0x5f: {  	[spmem:s2] =	stream.indirect.scatter.add.f32 [tilespmem:s17], [sflag:$0x3], $0x80, s22, s15, $0xb8;
	[tilespmem:$0x1E400] =	vst v63  }
0x60: {  	_ =	swait.ge [sflag:s13], $0x4000  }
0x61: {  	[sflag:s13] =	ssyncset.done $0x0  }
0x62: {  	s26 =	simm.s32 $0x0;
	[sflag:s13] =	ssyncadd.s32 $0xFFFFC000  }
0x63: {  	[tilespmem:s26], [sflag:$0x3] =	stream.linear.gather [hbm4b:s9+s26], $0x1400, $0x38;
	[tilespmem:$0x1E400] =	vst v63  }
0x64: {  	_ =	swait.ge [sflag:s13], $0x1400  }
0x65: {  	[sflag:s13] =	ssyncset.done $0x0  }
0x66: {  	[sflag:s13] =	ssyncadd.s32 $0xFFFFEC00  }
0x67: {  	[tilespmem:s14], [sflag:$0x3] =	stream.linear.gather [hbm4b:s10+s26], $0x1400, $0x38;
	[tilespmem:$0x1E400] =	vst v63  }
0x68: {  	_ =	swait.ge [sflag:s13], $0x1400  }
0x69: {  	[sflag:s13] =	ssyncset.done $0x0  }
0x6a: {  	[sflag:s13] =	ssyncadd.s32 $0xFFFFEC00  }
0x6b: {  	[tilespmem:s16], [sflag:$0x1] =	stream.indirect.gather [hbm4b:s4+s15], $0x80, s26, s15, $0xb8;
	[tilespmem:$0x1E400] =	vst v63  }
0x6c: {  	s28 =	simm.s32 $0x80  }
0x6d: {  	[tilespmem:s17], [sflag:$0x2] =	stream.indirect.gather [hbm4b:s4+s15], $0x80, s28, s15, $0xb8;
	[tilespmem:$0x1E400] =	vst v63  }
0x6e: {  	_ =	swait.ge [sflag:s18], $0x4000  }
0x6f: {  	[sflag:s18] =	ssyncset.done $0x0  }
0x70: {  	s29 =	simm.s32 $0x1400;
	[sflag:s18] =	ssyncadd.s32 $0xFFFFC000  }
0x71: {  	[spmem:s2] =	stream.indirect.scatter.add.f32 [tilespmem:s16], [sflag:$0x3], $0x80, s29, s15, $0xb8;
	[tilespmem:$0x1E400] =	vst v63  }
0x72: {  	_ =	swait.ge [sflag:s13], $0x4000  }
0x73: {  	[sflag:s13] =	ssyncset.done $0x0  }
0x74: {  	s30 =	simm.s32 $0x100;
	[sflag:s13] =	ssyncadd.s32 $0xFFFFC000  }
0x75: {  	[tilespmem:s16], [sflag:$0x1] =	stream.indirect.gather [hbm4b:s4+s15], $0x80, s30, s15, $0xb8;
	[tilespmem:$0x1E400] =	vst v63  }
0x76: {  	_ =	swait.ge [sflag:s19], $0x4000  }
0x77: {  	[sflag:s19] =	ssyncset.done $0x0  }
0x78: {  	s31 =	simm.s32 $0x1480;
	[sflag:s19] =	ssyncadd.s32 $0xFFFFC000  }
0x79: {  	[spmem:s2] =	stream.indirect.scatter.add.f32 [tilespmem:s17], [sflag:$0x3], $0x80, s31, s15, $0xb8;
	[tilespmem:$0x1E400] =	vst v63  }
0x7a: {  	_ =	swait.ge [sflag:s13], $0x4000  }
0x7b: {  	s25 =	simm.s32 $0x100;
	s26 =	simm.s32 $0x800;
	[sflag:s13] =	ssyncset.done $0x0  }
.LBB2_4:
0x7c: {  	s28 =	sadd.s32 $0x80, s25  }
0x7d: {  	[sflag:s13] =	ssyncadd.s32 $0xFFFFC000;
	s29 =	smov.u32 s26;
	s30 =	sadd.s32 $0x400, s26  }
0x7e: {  	[tilespmem:s17], [sflag:$0x2] =	stream.indirect.gather [hbm4b:s4+s15], $0x80, s28, s15, $0xb8;
	[tilespmem:$0x1E400] =	vst v63  }
0x7f: {  	p0 =	sne.s32 s26, $0x4800;
	_ =	swait.ge [sflag:s18], $0x4000  }
0x80: {  	[sflag:s18] =	ssyncset.done $0x0  }
0x81: {  	s26 =	sadd.s32 $0x1400, s25;
	[sflag:s18] =	ssyncadd.s32 $0xFFFFC000  }
0x82: {  	[spmem:s2] =	stream.indirect.scatter.add.f32 [tilespmem:s16], [sflag:$0x3], $0x80, s26, s15, $0xb8;
	[tilespmem:$0x1E400] =	vst v63  }
0x83: {  	_ =	swait.ge [sflag:s13], $0x4000  }
0x84: {  	[sflag:s13] =	ssyncset.done $0x0  }
0x85: {  	s26 =	sadd.s32 $0x100, s25;
	[sflag:s13] =	ssyncadd.s32 $0xFFFFC000  }
0x86: {  	[tilespmem:s16], [sflag:$0x1] =	stream.indirect.gather [hbm4b:s4+s15], $0x80, s26, s15, $0xb8;
	[tilespmem:$0x1E400] =	vst v63  }
0x87: {  	_ =	swait.ge [sflag:s19], $0x4000  }
.Ltmp1:
0x88: {  	[sflag:s19] =	ssyncset.done $0x0;
	(pc) =	sbr.rel @p0 .LBB2_4-.Ltmp1, $4  }
0x89: {  	s25 =	sadd.s32 $0x1480, s25;
	[sflag:s19] =	ssyncadd.s32 $0xFFFFC000  }
0x8a: {  	[spmem:s2] =	stream.indirect.scatter.add.f32 [tilespmem:s17], [sflag:$0x3], $0x80, s25, s15, $0xb8;
	[tilespmem:$0x1E400] =	vst v63  }
0x8b: {  	_ =	swait.ge [sflag:s13], $0x4000  }
0x8c: {  	s26 =	smov.u32 s30;
	s25 =	sshra.s32 s29, $0x2;
	[sflag:s13] =	ssyncset.done $0x0  }
0x8d: {  	s26 =	sadd.s32 $0x80, s25;
	[sflag:s13] =	ssyncadd.s32 $0xFFFFC000  }
0x8e: {  	[tilespmem:s17], [sflag:$0x2] =	stream.indirect.gather [hbm4b:s4+s15], $0x80, s26, s15, $0xb8;
	[tilespmem:$0x1E400] =	vst v63  }
0x8f: {  	_ =	swait.ge [sflag:s18], $0x4000  }
0x90: {  	[sflag:s18] =	ssyncset.done $0x0  }
0x91: {  	s29 =	sadd.s32 $0x1400, s25;
	[sflag:s18] =	ssyncadd.s32 $0xFFFFC000  }
0x92: {  	[spmem:s2] =	stream.indirect.scatter.add.f32 [tilespmem:s16], [sflag:$0x3], $0x80, s29, s15, $0xb8;
	[tilespmem:$0x1E400] =	vst v63  }
0x93: {  	_ =	swait.ge [sflag:s13], $0x4000  }
0x94: {  	[sflag:s13] =	ssyncset.done $0x0  }
0x95: {  	s30 =	sadd.s32 $0x100, s25;
	[sflag:s13] =	ssyncadd.s32 $0xFFFFC000  }
0x96: {  	[tilespmem:s16], [sflag:$0x1] =	stream.indirect.gather [hbm4b:s4+s15], $0x80, s30, s15, $0xb8;
	[tilespmem:$0x1E400] =	vst v63  }
0x97: {  	_ =	swait.ge [sflag:s19], $0x4000  }
0x98: {  	[sflag:s19] =	ssyncset.done $0x0  }
0x99: {  	s31 =	sadd.s32 $0x1480, s25;
	[sflag:s19] =	ssyncadd.s32 $0xFFFFC000  }
0x9a: {  	[spmem:s2] =	stream.indirect.scatter.add.f32 [tilespmem:s17], [sflag:$0x3], $0x80, s31, s15, $0xb8;
	[tilespmem:$0x1E400] =	vst v63  }
0x9b: {  	_ =	swait.ge [sflag:s13], $0x4000  }
0x9c: {  	[sflag:s13] =	ssyncset.done $0x0  }
0x9d: {  	[sflag:s13] =	ssyncadd.s32 $0xFFFFC000  }
0x9e: {  	[tilespmem:s17], [sflag:$0x2] =	stream.indirect.gather [hbm4b:s4+s15], $0x80, s20, s15, $0xb8;
	[tilespmem:$0x1E400] =	vst v63  }
0x9f: {  	_ =	swait.ge [sflag:s18], $0x4000  }
0xa0: {  	[sflag:s18] =	ssyncset.done $0x0  }
0xa1: {  	[sflag:s18] =	ssyncadd.s32 $0xFFFFC000  }
0xa2: {  	[spmem:s2] =	stream.indirect.scatter.add.f32 [tilespmem:s16], [sflag:$0x3], $0x80, s21, s15, $0xb8;
	[tilespmem:$0x1E400] =	vst v63  }
0xa3: {  	_ =	swait.ge [sflag:s13], $0x4000  }
0xa4: {  	[sflag:s13] =	ssyncset.done $0x0  }
0xa5: {  	[sflag:s13] =	ssyncadd.s32 $0xFFFFC000  }
0xa6: {  	_ =	swait.ge [sflag:s19], $0x4000  }
0xa7: {  	[sflag:s19] =	ssyncset.done $0x0  }
0xa8: {  	[sflag:s19] =	ssyncadd.s32 $0xFFFFC000  }
0xa9: {  	[spmem:s2] =	stream.indirect.scatter.add.f32 [tilespmem:s17], [sflag:$0x3], $0x80, s22, s15, $0xb8;
	[tilespmem:$0x1E400] =	vst v63  }
0xaa: {  	_ =	swait.ge [sflag:s13], $0x4000  }
0xab: {  	s24 =	sadd.s32 $0x1, s24;
	[sflag:s13] =	ssyncset.done $0x0  }
0xac: {  	p0 =	sne.s32 s24, s11;
	[sflag:s13] =	ssyncadd.s32 $0xFFFFC000  }
.Ltmp2:
0xad: {  	[bflag:$0x0] =	sbarrier.arrive $0xFFFF;
	(pc) =	sbr.rel @p0 .LBB2_1-.Ltmp2, $4  }
0xae: {  	[hbm:s23], [sflag:s6] =	dma.local [spmem:s12], $0x2780  }
0xaf: {  	_ =	swait.ge [sflag:s13], $0x2780  }
0xb0: {  	[sflag:s13] =	ssyncset.done $0x0  }
0xb1: {  	[sflag:s13] =	ssyncadd.s32 $0xFFFFD880  }
0xb2: {  	_ =	sfence.sel $0x180000  }
0xb3: {  	[bflag:$0x0] =	sbarrier.arrive $0xFFFF  }
0xb4: {  	p0 =	sne.s32 s5, $0x0;
	_ =	strace $0x9000004A  }
0xb5: {  	s0 =	sadd.s32 @!p0 $0x100000, s0;
	[bflag:$0x2] =	sbarrier.arrive $0xFFFF  }
0xb6: {  	[sflag:s0] =	ssyncadd.tile.s32 @!p0 $0x1;
	_ =	shalt  }
.Lfunc_end2:
_tile_overlayer_lowered:
.L_overlay_start_2:
0xb7: {  	(tag) =	ssettag $0x2  }
0xb8: {  	s0 =	rddreg [dreg:$0x0];
	s2 =	stileid.u32  }
0xb9: {  	s1 =	rddreg [dreg:$0x1];
	p0 =	sne.s32 s2, $0x0  }
0xba: {  	s3 =	rddreg [dreg:$0x2];
	[bflag:$0x3] =	sbarrier.arrive $0xFFFF;
	s2 =	simm.s32 @!p0 $0x1C03  }
0xbb: {  	[timem:s3], [sflag:s2] =	dma.local @!p0 [hbm:s0], s1  }
0xbc: {  	s0 =	simm.s32 @!p0 $0x3  }
0xbd: {  	_ =	swait.ge @!p0 [sflag:s0], s1  }
0xbe: {  	s1 =	ssub.s32 @!p0 $0x0, s1;
	[sflag:s0] =	ssyncset.done @!p0 $0x0  }
0xbf: {  	[sflag:s0] =	ssyncadd.s32 @!p0 s1  }
0xc0: {  	[bflag:$0x3] =	sbarrier.arrive $0xFFFF  }
0xc1: {  	_ =	shalt  }

// kernel: kernel.8.cloned.1.call-start
scs
__scs_entry_jumppad:
0x0: {  	(pc) =	sbr.rel $0x88, $3  }
0x1: {  	(tag) =	ssettag $0x0;
	lr =	simm.s32 $0x1  }
0x2: {  	[smem:$0x3F8E] =	sst lr;
	_ =	strace $0xD0000000  }
0x3: {  	_ = 	snop  }
0x4: {  	_ = 	snop  }
0x5: {  	_ = 	snop  }
0x6: {  	_ = 	snop  }
0x7: {  	_ = 	snop  }
__scs_overlays_trampoline_lowered:
0x8: {  	[smem:$0x3F9D] =	sst s0  }
0x9: {  	[smem:$0x3F9E] =	sst s1  }
0xa: {  	[smem:$0x3F9F] =	sst s2  }
0xb: {  	[smem:$0x3FA0] =	sst s3  }
0xc: {  	[smem:$0x3FA1] =	sst s4  }
0xd: {  	[smem:$0x3FA2] =	sst s5  }
0xe: {  	[smem:$0x3FA3] =	sst s6  }
0xf: {  	[smem:$0x3FA4] =	sst s7  }
0x10: {  	[smem:$0x3FA5] =	sst s8  }
0x11: {  	[smem:$0x3FA6] =	sst s9;
	s0 =	simm.s32 @!p0 $0x0  }
0x12: {  	s1 =	sld [smem:$0x3F8C];
	s0 =	simm.s32 @p0 $0x1  }
0x13: {  	[smem:$0x3FA7] =	sst s0;
	s0 =	simm.s32 @!p1 $0x0  }
0x14: {  	s2 =	sld [smem:$0x3F8B];
	s0 =	simm.s32 @p1 $0x1  }
0x15: {  	[smem:$0x3FA8] =	sst s0;
	s0 =	simm.s32 @!p2 $0x0  }
0x16: {  	s3 =	sld [smem:$0x3FDB];
	s0 =	simm.s32 @p2 $0x1  }
0x17: {  	s4 =	simm.s32 $0x1BF5;
	[smem:$0x3FAA] =	sst s0  }
0x18: {  	s0 =	sld [smem:$0x3F8D];
	_ =	swait.ge [sflag:s4], $0x0  }
0x19: {  	s7 =	sld [smem:$0x3F8E]  }
0x1a: {  	s8 =	sadd.s32 $0xFFFFE003, lr  }
0x1b: {  	s9 =	sadd.s32 $0xFFFFFEF7, lr;
	s5 =	simm.s32 $0xFFFFFFFF;
	p2 =	slt.u32 s8, $0xFFFFF086  }
0x1c: {  	p1 =	slt.u32 s9, $0xF7A;
	s5 =	simm.s32 @!p2 $0x0  }
0x1d: {  	s5 =	simm.s32 @p1 $0x1;
	p0 =	seq.s32 s7, s2  }
0x1e: {  	s7 =	smul.u32 @!p0 $0xF7A, s2;
	p2 =	seq.s32 @!p0 s5, $0x0  }
0x1f: {  	s9 =	smul.u32 $0xF7A, s1;
	s8 =	simm.s32 @!p0 $0x1BF5;
	p2 =	por !p2, p0  }
0x20: {  	[sflag:s8] =	ssyncset.s32 @!p0 $0xFFFFF086;
	s6 =	sadd.s32 @!p0 s3, s7;
	s7 =	simm.s32 @!p0 $0x108  }
0x21: {  	s3 =	sadd.s32 s3, s9;
	s6 =	sadd.s32 @!p0 $0x88, s6;
	s7 =	simm.s32 @p2 $0x1082  }
0x22: {  	[simem:s7], [sflag:s8] =	dma.local @!p0 [hbm:s6], $0xF7A  }
0x23: {  	s9 =	sor.u32 $0xD0000000, s2;
	s6 =	simm.s32 $0x108;
	_ =	swait.ge @!p0 [sflag:s8], $0x0  }
0x24: {  	s3 =	sadd.s32 $0x88, s3;
	s6 =	simm.s32 @!p1 $0x1082;
	[sflag:s4] =	ssyncset.s32 $0xFFFFF086  }
0x25: {  	[simem:s6], [sflag:s4] =	dma.local [hbm:s3], $0xF7A  }
0x26: {  	[smem:$0x3F8E] =	sst s1;
	(tag) =	ssettag s2;
	_ =	strace s9  }
0x27: {  	s1 =	sld [smem:$0x3F9E]  }
0x28: {  	s2 =	sld [smem:$0x3F9F]  }
0x29: {  	s4 =	sld [smem:$0x3FA1]  }
0x2a: {  	p0 =	seq.s32 s5, $0x0;
	s5 =	sld [smem:$0x3FA2]  }
0x2b: {  	s6 =	sld [smem:$0x3FA3]  }
0x2c: {  	s7 =	sld [smem:$0x3FA4]  }
0x2d: {  	s3 =	simm.s32 $0x108;
	s8 =	sld [smem:$0x3FA5]  }
0x2e: {  	s3 =	simm.s32 @!p0 $0x1082;
	s9 =	sld [smem:$0x3FA6]  }
0x2f: {  	lr =	sadd.s32 s0, s3;
	s0 =	sld [smem:$0x3F9D]  }
0x30: {  	s3 =	sld [smem:$0x3FA0]  }
0x31: {  	[smem:$0x3FA9] =	sst s10  }
0x32: {  	s10 =	sld [smem:$0x3FA7];
	_ =	sdelay $0x3  }
0x33: {  	p0 =	seq.s32 s10, $0x1;
	s10 =	sld [smem:$0x3FA9];
	_ =	sdelay $0x3  }
0x34: {  	[smem:$0x3FA9] =	sst s10  }
0x35: {  	s10 =	sld [smem:$0x3FA8];
	_ =	sdelay $0x3  }
0x36: {  	p1 =	seq.s32 s10, $0x1;
	s10 =	sld [smem:$0x3FA9];
	_ =	sdelay $0x3  }
0x37: {  	[smem:$0x3FA9] =	sst s10  }
0x38: {  	s10 =	sld [smem:$0x3FAA]  }
0x39: {  	_ = 	snop;
	(pc) =	sbr.ind lr, $3  }
0x3a: {  	_ = 	snop  }
0x3b: {  	_ = 	snop  }
0x3c: {  	p2 =	seq.s32 s10, $0x1;
	s10 =	sld [smem:$0x3FA9]  }
0x3d: {  	_ =	shalt  }
0x3e: {  	_ =	shalt  }
0x3f: {  	_ =	shalt  }
0x40: {  	_ =	shalt  }
0x41: {  	_ =	shalt  }
0x42: {  	_ =	shalt  }
0x43: {  	_ =	shalt  }
0x44: {  	_ =	shalt  }
0x45: {  	_ =	shalt  }
0x46: {  	_ =	shalt  }
0x47: {  	_ =	shalt  }
0x48: {  	_ =	shalt  }
0x49: {  	_ =	shalt  }
0x4a: {  	_ =	shalt  }
0x4b: {  	_ =	shalt  }
0x4c: {  	_ =	shalt  }
0x4d: {  	_ =	shalt  }
0x4e: {  	_ =	shalt  }
0x4f: {  	_ =	shalt  }
0x50: {  	_ =	shalt  }
0x51: {  	_ =	shalt  }
0x52: {  	_ =	shalt  }
0x53: {  	_ =	shalt  }
0x54: {  	_ =	shalt  }
0x55: {  	_ =	shalt  }
0x56: {  	_ =	shalt  }
0x57: {  	_ =	shalt  }
0x58: {  	_ =	shalt  }
0x59: {  	_ =	shalt  }
0x5a: {  	_ =	shalt  }
0x5b: {  	_ =	shalt  }
0x5c: {  	_ =	shalt  }
0x5d: {  	_ =	shalt  }
0x5e: {  	_ =	shalt  }
0x5f: {  	_ =	shalt  }
0x60: {  	_ =	shalt  }
0x61: {  	_ =	shalt  }
0x62: {  	_ =	shalt  }
0x63: {  	_ =	shalt  }
0x64: {  	_ =	shalt  }
0x65: {  	_ =	shalt  }
0x66: {  	_ =	shalt  }
0x67: {  	_ =	shalt  }
0x68: {  	_ =	shalt  }
0x69: {  	_ =	shalt  }
0x6a: {  	_ =	shalt  }
0x6b: {  	_ =	shalt  }
0x6c: {  	_ =	shalt  }
0x6d: {  	_ =	shalt  }
0x6e: {  	_ =	shalt  }
0x6f: {  	_ =	shalt  }
0x70: {  	_ =	shalt  }
0x71: {  	_ =	shalt  }
0x72: {  	_ =	shalt  }
0x73: {  	_ =	shalt  }
0x74: {  	_ =	shalt  }
0x75: {  	_ =	shalt  }
0x76: {  	_ =	shalt  }
0x77: {  	_ =	shalt  }
0x78: {  	_ =	shalt  }
0x79: {  	_ =	shalt  }
0x7a: {  	_ =	shalt  }
0x7b: {  	_ =	shalt  }
0x7c: {  	_ =	shalt  }
0x7d: {  	_ =	shalt  }
0x7e: {  	_ =	shalt  }
0x7f: {  	_ =	shalt  }
0x80: {  	_ =	shalt  }
0x81: {  	_ =	shalt  }
0x82: {  	_ =	shalt  }
0x83: {  	_ =	shalt  }
0x84: {  	_ =	shalt  }
0x85: {  	_ =	shalt  }
0x86: {  	_ =	shalt  }
0x87: {  	_ =	shalt  }
.Lfunc_end0:
.L_simem_size_0:
called_computation_lowered:
.L_overlay_start_0:
0x88: {  	s2 =	sld [smem:$0x3FD9]  }
0x89: {  	s3 =	sld [smem:$0x3FFE];
	_ =	sdelay $0x1  }
0x8a: {  	s1 =	srdreg.scid  }
0x8b: {  	s0 =	sand.u32 $0x1, s1  }
0x8c: {  	s17 =	sshll.u32 s0, $0xA;
	s2 =	sadd.s32 s3, s2  }
0x8d: {  	s2 =	sadd.s32 s2, s17  }
0x8e: {  	[smem:$0x3FB5] =	sst s2  }
0x8f: {  	_ = 	snop  }
0x90: {  	s2 =	sld [smem:$0x3FD0];
	(tm) =	ssettm $0x1  }
0x91: {  	s18 =	sld [smem:$0x3FFB];
	_ =	sdelay $0x3  }
0x92: {  	_ =	strace s18  }
0x93: {  	s3 =	sld [smem:$0x3FFC];
	_ =	sdelay $0x3  }
0x94: {  	_ =	strace s3  }
0x95: {  	s3 =	sld [smem:$0x3FFD];
	_ =	sdelay $0x3  }
0x96: {  	_ =	strace s3  }
0x97: {  	_ =	strace $0x8FFFFFFF  }
0x98: {  	s19 =	sld [smem:$0x3FDB];
	_ =	sdelay $0x1  }
0x99: {  	s4 =	simm.s32 $_scs_section_size  }
0x9a: {  	s5 =	simm.s32 $_size__tile_overlayer_lowered;
	s6 =	simm.s32 $_tile_overlayer_lowered  }
0x9b: {  	s22 =	simm.s32 $0x1BFF;
	s21 =	sshll.u32 s6, $0x1;
	s3 =	sadd.s32 s4, s19  }
0x9c: {  	s7 =	simm.s32 $0x0;
	s20 =	sshll.u32 s5, $0x1;
	s5 =	sadd.s32 s21, s3  }
0x9d: {  	[timem:s7], [sflag:s22] =	dma.local [hbm:s5], s20  }
0x9e: {  	_ =	swait.ge [sflag:s22], s20  }
0x9f: {  	s4 =	ssub.s32 $0x0, s20;
	[sflag:s22] =	ssyncset.done $0x0  }
0xa0: {  	[sflag:s22] =	ssyncadd.s32 s4;
	_ =	sdelay $0x1  }
0xa1: {  	s23 =	simm.s32 $0x1B8B  }
0xa2: {  	_ =	swait.ge [sflag:s23], $0x1  }
0xa3: {  	[sflag:s23] =	ssyncset.done $0x0  }
0xa4: {  	s25 =	simm.s32 $0x1B8E;
	s24 =	sld [smem:$0x3FFE];
	[sflag:s23] =	ssyncadd.s32 $0xFFFFFFFF  }
0xa5: {  	s26 =	simm.s32 $execute0_lowered;
	[smem:$0x3FD2] =	sst s25  }
0xa6: {  	s5 =	sshll.u32 s26, $0x1;
	_ =	strace $0x80000046;
	[dreg:$0x1] =	wrdreg $0xFFFFFFFF  }
0xa7: {  	s28 =	simm.s32 $_size_execute0_lowered;
	s3 =	sadd.s32 s3, s5;
	[dreg:$0x0] =	wrdreg $0x0  }
0xa8: {  	s5 =	sshll.u32 s28, $0x1;
	[dreg:$0x2] =	wrdreg s3  }
0xa9: {  	[dreg:$0x3] =	wrdreg s5  }
0xaa: {  	[dreg:$0x4] =	wrdreg $0xC0  }
0xab: {  	_ =	task [dreg:s7], $0x5FFFF  }
0xac: {  	[dreg:$0x1] =	wrdreg $0xFFFFFFFF  }
0xad: {  	[dreg:$0x0] =	wrdreg $0x60  }
0xae: {  	[dreg:$0x2] =	wrdreg s24  }
0xaf: {  	[dreg:$0x3] =	wrdreg s2  }
0xb0: {  	[dreg:$0x4] =	wrdreg $0x28800  }
0xb1: {  	[dreg:$0x5] =	wrdreg $0x9  }
0xb2: {  	_ =	task.clear_ibuf [dreg:s7], $0x6FFFF;
	_ =	strace $0x90000046  }
0xb3: {  	s29 =	simm.s32 $0x9;
	_ =	strace $0x80000048  }
0xb4: {  	_ =	swait.ge [sflag:s29], $0x1  }
0xb5: {  	[sflag:s29] =	ssyncadd.s32 $0xFFFFFFFF  }
0xb6: {  	_ =	strace $0x90000048  }
0xb7: {  	_ =	sfence  }
0xb8: {  	s30 =	sld [smem:$0x0];
	_ =	sdelay $0x2  }
0xb9: {  	s31 =	sshll.u32 s1, $0xD;
	s1 =	sshrl.u32 s1, $0x2  }
0xba: {  	s3 =	sand.u32 $0x4000, s31;
	s1 =	sadd.s32 s1, s30  }
0xbb: {  	s0 =	sor.u32 s3, s0;
	s1 =	sshll.u32 s1, $0x11  }
0xbc: {  	s0 =	sor.u32 s1, s0  }
0xbd: {  	s0 =	sadd.s32 $0x8F2B, s0  }
0xbe: {  	[sflag:s0] =	ssyncadd.remote.s32 $0x1  }
0xbf: {  	_ =	sfence.sel $0xFFFF  }
0xc0: {  	[dreg:$0x0] =	wrdreg $0xFFFFFFFF;
	(pc) =	sbr.abs _section_cstart, $3  }
0xc1: {  	[dreg:$0x1] =	wrdreg $0xFFFFFFFF  }
0xc2: {  	_ =	task.clear_ibuf [dreg:s7], $0x2FFFF;
	_ =	strace $0x9FFFFFFF  }
0xc3: {  	(tm) =	ssettm $0x7FFFFFFF  }
tec
execute0_lowered:
.L_overlay_start_1:
0x0: {  	(tag) =	ssettag $0x1  }
0x1: {  	s5 =	rddreg [dreg:$0x0]  }
0x2: {  	s0 =	srdreg.scid;
	s8 =	rddreg [dreg:$0x1]  }
0x3: {  	s2 =	rddreg [dreg:$0x2];
	s3 =	simm.s32 $0x0;
	s13 =	simm.s32 $0x80  }
0x4: {  	s14 =	simm.s32 $0x100;
	s15 =	simm.s32 $0x180;
	s16 =	simm.s32 $0x1  }
0x5: {  	s17 =	simm.s32 $0x0;
	s6 =	sand.u32 $0x1, s0;
	s0 =	stileid.u32  }
0x6: {  	[smem:$0x7FF] =	sst s3;
	s1 =	sshll.u32 s6, $0x4;
	s10 =	smul.u32 $0xA00, s0  }
0x7: {  	s6 =	ssub.s32 $0x2, s6;
	s31 =	sshll.u32 s0, $0x6;
	s7 =	sor.u32 s0, s1  }
0x8: {  	s1 =	rddreg [dreg:$0x3];
	_ =	strace $0x80000047;
	s4 =	smul.u32 $0x500, s7  }
0x9: {  	s11 =	sshrl.u32 s6, $0x1;
	s10 =	sshrl.u32 s10, $0x2;
	s12 =	smul.u32 $0x50, s7  }
0xa: {  	s11 =	ssub.s32 s6, s11;
	s6 =	sor.u32 $0x1C02, s31;
	s10 =	sadd.s32 s10, s2  }
0xb: {  	s9 =	sadd.s32 s4, s5;
	s4 =	sadd.s32 $0x18000, s5;
	s5 =	sadd.s32 $0x18200, s5  }
0xc: {  	s8 =	sadd.s32 s8, s12;
	s10 =	sshrl.u32 s10, $0x3;
	s12 =	simm.s32 $0x2800  }
0xd: {  	s7 =	sadd.s32 $0x4000, s9;
	s9 =	smax.u32 s11, $0x1;
	s11 =	simm.s32 $0x2  }
.LBB2_1:
0xe: {  	[spmem:s10], [sflag:s6] =	dma.local [hbm:s5], $0x50  }
0xf: {  	_ =	swait.ge [sflag:s11], $0x50  }
0x10: {  	[sflag:s11] =	ssyncset.done $0x0  }
0x11: {  	[sflag:s11] =	ssyncadd.s32 $0xFFFFFFB0  }
0x12: {  	[tilespmem:s12], [sflag:$0x2] =	stream.linear.gather [hbm4b:s4+s3], $0x80, $0x38;
	[tilespmem:$0x2B00] =	vst v63  }
0x13: {  	_ =	swait.ge [sflag:s11], $0x80  }
0x14: {  	[sflag:s11] =	ssyncset.done $0x0  }
0x15: {  	[sflag:s11] =	ssyncadd.s32 $0xFFFFFF80  }
0x16: {  	[tilespmem:s3], [sflag:$0x2] =	stream.linear.gather [hbm4b:s7+s3], $0x2800, $0x38;
	[tilespmem:$0x2B00] =	vst v63  }
0x17: {  	_ =	swait.ge [sflag:s11], $0x2800  }
0x18: {  	[sflag:s11] =	ssyncset.done $0x0  }
0x19: {  	[sflag:s11] =	ssyncadd.s32 $0xFFFFD800  }
0x1a: {  	[bflag:$0x0] =	sbarrier.arrive $0xFFFF  }
0x1b: {  	[spmem:s2] =	stream.indirect.scatter.add.f32 [tilespmem:s12], [sflag:$0x1], $0x1, s3, s13, $0xb8;
	[tilespmem:$0x2B00] =	vst v63  }
0x1c: {  	_ = 	snop  }
0x1d: {  	[spmem:s2] =	stream.indirect.scatter.add.f32 [tilespmem:s12], [sflag:$0x1], $0x1, s13, s13, $0xb8;
	[tilespmem:$0x2B00] =	vst v63  }
0x1e: {  	_ = 	snop  }
0x1f: {  	[spmem:s2] =	stream.indirect.scatter.add.f32 [tilespmem:s12], [sflag:$0x1], $0x1, s14, s13, $0xb8;
	[tilespmem:$0x2B00] =	vst v63  }
0x20: {  	_ = 	snop  }
0x21: {  	[spmem:s2] =	stream.indirect.scatter.add.f32 [tilespmem:s12], [sflag:$0x1], $0x1, s15, s13, $0xb8;
	[tilespmem:$0x2B00] =	vst v63  }
0x22: {  	s18 =	simm.s32 $0x200  }
0x23: {  	[spmem:s2] =	stream.indirect.scatter.add.f32 [tilespmem:s12], [sflag:$0x1], $0x1, s18, s13, $0xb8;
	[tilespmem:$0x2B00] =	vst v63  }
0x24: {  	_ =	swait.ge [sflag:s16], $0x80  }
0x25: {  	s18 =	simm.s32 $0xA00;
	[sflag:s16] =	ssyncset.done $0x0  }
.LBB2_2:
0x26: {  	s19 =	sshra.s32 s18, $0x2;
	[sflag:s16] =	ssyncadd.s32 $0xFFFFFF80;
	p0 =	sne.s32 s18, $0x9E00  }
0x27: {  	[spmem:s2] =	stream.indirect.scatter.add.f32 [tilespmem:s12], [sflag:$0x1], $0x1, s19, s13, $0xb8;
	[tilespmem:$0x2B00] =	vst v63  }
.Ltmp0:
0x28: {  	_ = 	snop;
	(pc) =	sbr.rel @p0 .LBB2_2-.Ltmp0, $4  }
0x29: {  	_ = 	snop  }
0x2a: {  	s18 =	sadd.s32 $0x200, s18  }
0x2b: {  	_ =	swait.ge [sflag:s16], $0x80  }
0x2c: {  	[sflag:s16] =	ssyncset.done $0x0  }
0x2d: {  	[sflag:s16] =	ssyncadd.s32 $0xFFFFFF80  }
0x2e: {  	_ =	swait.ge [sflag:s16], $0x80  }
0x2f: {  	[sflag:s16] =	ssyncset.done $0x0  }
0x30: {  	[sflag:s16] =	ssyncadd.s32 $0xFFFFFF80  }
0x31: {  	_ =	swait.ge [sflag:s16], $0x80  }
0x32: {  	[sflag:s16] =	ssyncset.done $0x0  }
0x33: {  	[sflag:s16] =	ssyncadd.s32 $0xFFFFFF80  }
0x34: {  	_ =	swait.ge [sflag:s16], $0x80  }
0x35: {  	[sflag:s16] =	ssyncset.done $0x0  }
0x36: {  	[sflag:s16] =	ssyncadd.s32 $0xFFFFFF80  }
0x37: {  	_ =	swait.ge [sflag:s16], $0x80  }
0x38: {  	s17 =	sadd.s32 $0x1, s17;
	[sflag:s16] =	ssyncset.done $0x0  }
0x39: {  	p0 =	sne.s32 s17, s9;
	[sflag:s16] =	ssyncadd.s32 $0xFFFFFF80  }
.Ltmp1:
0x3a: {  	[bflag:$0x0] =	sbarrier.arrive $0xFFFF;
	(pc) =	sbr.rel @p0 .LBB2_1-.Ltmp1, $4  }
0x3b: {  	[hbm:s8], [sflag:s6] =	dma.local [spmem:s10], $0x50  }
0x3c: {  	_ =	swait.ge [sflag:s11], $0x50  }
0x3d: {  	[sflag:s11] =	ssyncset.done $0x0  }
0x3e: {  	[sflag:s11] =	ssyncadd.s32 $0xFFFFFFB0  }
0x3f: {  	_ =	sfence.sel $0x180000  }
0x40: {  	[bflag:$0x0] =	sbarrier.arrive $0xFFFF  }
0x41: {  	p0 =	sne.s32 s0, $0x0;
	_ =	strace $0x90000047  }
0x42: {  	s0 =	sadd.s32 @!p0 $0x100000, s1;
	[bflag:$0x2] =	sbarrier.arrive $0xFFFF  }
0x43: {  	[sflag:s0] =	ssyncadd.tile.s32 @!p0 $0x1;
	_ =	shalt  }
.Lfunc_end2:
_tile_overlayer_lowered:
.L_overlay_start_2:
0x44: {  	(tag) =	ssettag $0x2  }
0x45: {  	s0 =	rddreg [dreg:$0x0];
	s2 =	stileid.u32  }
0x46: {  	s1 =	rddreg [dreg:$0x1];
	p0 =	sne.s32 s2, $0x0  }
0x47: {  	s3 =	rddreg [dreg:$0x2];
	[bflag:$0x3] =	sbarrier.arrive $0xFFFF;
	s2 =	simm.s32 @!p0 $0x1C02  }
0x48: {  	[timem:s3], [sflag:s2] =	dma.local @!p0 [hbm:s0], s1  }
0x49: {  	s0 =	simm.s32 @!p0 $0x2  }
0x4a: {  	_ =	swait.ge @!p0 [sflag:s0], s1  }
0x4b: {  	s1 =	ssub.s32 @!p0 $0x0, s1;
	[sflag:s0] =	ssyncset.done @!p0 $0x0  }
0x4c: {  	[sflag:s0] =	ssyncadd.s32 @!p0 s1  }
0x4d: {  	[bflag:$0x3] =	sbarrier.arrive $0xFFFF  }
0x4e: {  	_ =	shalt  }

</sc_bundles>
